<compile_context>
chip_gen: v7x
topology: tpu7x:2x2x1
jax: 0.10.2.dev20260603
libtpu: 0.0.44.dev20260713+nightly
codegen_flags: <defaults>
</compile_context>

<pallas_src>
import functools
import math

import jax
import jax.numpy as jnp
from jax import lax
from jax.experimental import pallas as pl
from jax.experimental.pallas import tpu as pltpu
from jax.experimental.pallas import tpu_sc as plsc

D_MODEL = 64
SCALE = math.sqrt(D_MODEL)

NUM_CORES = 2
NUM_SUBCORES = 16
NW = NUM_CORES * NUM_SUBCORES
LANES = 16


@functools.lru_cache(maxsize=None)
def _make_lookup(B, CH):
    n_per = B // NW
    n_chunks = n_per // CH

    mesh = plsc.VectorSubcoreMesh(core_axis_name="c", subcore_axis_name="s")

    @functools.partial(
        pl.kernel,
        out_type=jax.ShapeDtypeStruct((B, D_MODEL), jnp.float32),
        mesh=mesh,
        scratch_types=[
            pltpu.VMEM((CH,), jnp.int32),
            pltpu.VMEM((CH,), jnp.int32),
            pltpu.VMEM((CH, 2 * D_MODEL), jnp.float32),
            pltpu.VMEM((CH, D_MODEL), jnp.float32),
            pltpu.SemaphoreType.DMA,
        ],
        compiler_params=pltpu.CompilerParams(needs_layout_passes=False),
    )
    def lookup(x_hbm, emb2_hbm, out_hbm, idx_v, idxh_v, rows_v, outb_v, sem):
        wid = lax.axis_index("s") * NUM_CORES + lax.axis_index("c")
        base = wid * n_per

        def chunk_body(g, carry):
            cbase = base + g * CH
            pltpu.sync_copy(x_hbm.at[pl.ds(cbase, CH)], idx_v)

            def half_body(i, c):
                sl = pl.ds(i * LANES, LANES)
                idxh_v[sl] = idx_v[sl] >> 1
                return c

            lax.fori_loop(0, CH // LANES, half_body, 0, unroll=4)
            pltpu.async_copy(emb2_hbm.at[idxh_v], rows_v, sem).wait()

            def grp_body(gi, c):
                r0 = gi * LANES
                pf = (idx_v[pl.ds(r0, LANES)] & 1).astype(jnp.float32)
                for l in range(LANES):
                    r = r0 + l
                    p = pf[l]
                    for j in range(D_MODEL // LANES):
                        lo = rows_v[r, pl.ds(j * LANES, LANES)]
                        hi = rows_v[r, pl.ds(D_MODEL + j * LANES, LANES)]
                        outb_v[r, pl.ds(j * LANES, LANES)] = (
                            lo + p * (hi - lo)
                        ) * SCALE
                return c

            lax.fori_loop(0, CH // LANES, grp_body, 0)
            pltpu.sync_copy(outb_v, out_hbm.at[pl.ds(cbase, CH)])
            return carry

        lax.fori_loop(0, n_chunks, chunk_body, 0)

    return lookup


def kernel(x, emb):
    bsz, hist = x.shape
    B = bsz * hist
    xf = x.reshape(B).astype(jnp.int32)
    emb2 = emb.reshape(emb.shape[0] // 2, 2 * D_MODEL)
    out = _make_lookup(B, 400)(xf, emb2)
    return out.reshape(1, bsz, hist, D_MODEL)

# --- scband reference (transcript-rebuilt; emitter-appended) ---
"""Pipeline reference for scband-embedding-87660282511549 (READ-ONLY COPY).

The authoritative reference and input builder live on the scoring server;
editing this copy changes nothing except your own understanding.
"""

import jax, jax.numpy as jnp
import numpy as np
import math

D_MODEL = 64
VOCAB = 1000000
BATCH = 1024
HIST = 200

def setup_inputs(seed: int = 0) -> dict:
    key = jax.random.key(seed)
    k1, k2 = jax.random.split(key)
    x = jax.random.randint(k1, (BATCH, HIST), 0, VOCAB, dtype=jnp.int64 if jax.config.jax_enable_x64 else jnp.int32)
    emb = jax.random.normal(k2, (VOCAB, D_MODEL), dtype=jnp.float32)
    return {"x": x, "emb": emb}

def reference(x, emb):
    # out = self.emb(x) * sqrt(d_model); out = out.unsqueeze(0)
    out = jnp.take(emb, x, axis=0) * math.sqrt(D_MODEL)
    out = out[None, ...]
    return out

if __name__ == "__main__":
    import jax
    _d = setup_inputs()
    print(jax.jit(kernel)(*tuple(_d.values())))

</pallas_src>

<mosaic_0001>
#map = affine_map<(d0, d1) -> (0)>
#map1 = affine_map<(d0, d1) -> (0, 0)>
module attributes {stable_mosaic.version = 14 : i64} {
  func.func @lookup(%arg0: i32, %arg1: i32, %arg2: memref<204800xi32, #tpu.memory_space<hbm>>, %arg3: memref<500000x128xf32, #tpu.memory_space<hbm>>, %arg4: memref<204800x64xf32, #tpu.memory_space<hbm>>, %arg5: memref<400xi32, #tpu.memory_space<vmem>>, %arg6: memref<400xi32, #tpu.memory_space<vmem>>, %arg7: memref<400x128xf32, #tpu.memory_space<vmem>>, %arg8: memref<400x64xf32, #tpu.memory_space<vmem>>, %arg9: memref<!tpu.dma_semaphore, #tpu.memory_space<semaphore_mem>>) attributes {dimension_semantics = [#tpu.dimension_semantics<core_parallel>, #tpu.dimension_semantics<subcore_parallel>], iteration_bounds = array<i64: 2, 16>, scalar_prefetch = 0 : i64, scratch_operands = 5 : i64, tpu.core_type = #tpu.core_type<sc_vector_subcore>, window_params = [{transform_indices = #map}, {transform_indices = #map1}, {transform_indices = #map1}]} {
    %mul3A = arith.constant 2 : i32
    %mul3A_0 = arith.muli %arg1, %mul3A : i32
    %add3A = arith.addi %mul3A_0, %arg0 : i32
    %mul3A_1 = arith.constant 6400 : i32
    %mul3A_2 = arith.muli %add3A, %mul3A_1 : i32
    %scan3A = arith.constant 0 : i32
    %scan3A_3 = arith.constant 0 : i32
    %scan3A_4 = arith.constant 16 : i32
    %scan3A_5 = arith.addi %scan3A_3, %scan3A_4 : i32
    %scan3A_6 = arith.constant 1 : i32
    scf.for %scan3A_8 = %scan3A_3 to %scan3A_5 step %scan3A_6  : i32 {
      %mul3A_9 = arith.constant 400 : i32
      %mul3A_10 = arith.muli %scan3A_8, %mul3A_9 : i32
      %add3A_11 = arith.addi %mul3A_2, %mul3A_10 : i32
      "tpu.region"() ({
        %run_scoped3A = tpu.sem_alloc : memref<!tpu.dma_semaphore, #tpu.memory_space<semaphore_mem>>
        %dma_start3A_36 = tpu.memref_slice %arg2[%add3A_11] : memref<204800xi32, #tpu.memory_space<hbm>> -> memref<400xi32, #tpu.memory_space<hbm>>
        %dma_start3A_37 = tpu.memref_slice %arg2[%add3A_11] : memref<204800xi32, #tpu.memory_space<hbm>> -> memref<400xi32, #tpu.memory_space<hbm>>
        tpu.enqueue_dma source(%dma_start3A_37 : memref<400xi32, #tpu.memory_space<hbm>>) target(%arg5 : memref<400xi32, #tpu.memory_space<vmem>>) target_semaphore(%run_scoped3A : memref<!tpu.dma_semaphore, #tpu.memory_space<semaphore_mem>>)
        %dma_wait3A_38 = tpu.memref_slice %arg2[%add3A_11] : memref<204800xi32, #tpu.memory_space<hbm>> -> memref<400xi32, #tpu.memory_space<hbm>>
        %dma_wait3A_39 = tpu.memref_slice %arg2[%add3A_11] : memref<204800xi32, #tpu.memory_space<hbm>> -> memref<400xi32, #tpu.memory_space<hbm>>
        tpu.wait_dma2 semaphore(%run_scoped3A : memref<!tpu.dma_semaphore, #tpu.memory_space<semaphore_mem>>) src(%dma_wait3A_39 : memref<400xi32, #tpu.memory_space<hbm>>) dst(%arg5 : memref<400xi32, #tpu.memory_space<vmem>>)
        tpu.yield
      }) : () -> ()
      %scan3A_12 = arith.constant 0 : i32
      %scan3A_13 = arith.constant 0 : i32
      %scan3A_14 = arith.constant 24 : i32
      %scan3A_15 = arith.addi %scan3A_13, %scan3A_14 : i32
      %scan3A_16 = arith.constant 4 : i32
      scf.for %scan3A_36 = %scan3A_13 to %scan3A_15 step %scan3A_16  : i32 {
        %mul3A_37 = arith.constant 16 : i32
        %mul3A_38 = arith.muli %scan3A_36, %mul3A_37 : i32
        %get3A_39 = arith.index_cast %mul3A_38 : i32 to index
        %get3A_40 = tpu.vector_load %arg5[%get3A_39] {strides = array<i32>} : memref<400xi32, #tpu.memory_space<vmem>>, vector<16xi32>,
        %shift_right_arithmetic3A_41 = arith.constant 1 : i32
        %shift_right_arithmetic3A_42 = vector.broadcast %shift_right_arithmetic3A_41 : i32 to vector<16xi32>
        %shift_right_arithmetic3A_43 = arith.shrsi %get3A_40, %shift_right_arithmetic3A_42 : vector<16xi32>
        %swap3A_44 = arith.index_cast %mul3A_38 : i32 to index
        %swap3A_45 = tpu.vector_load %arg6[%swap3A_44] {strides = array<i32>} : memref<400xi32, #tpu.memory_space<vmem>>, vector<16xi32>,
        tpu.vector_store %arg6[%swap3A_44], %shift_right_arithmetic3A_43 {strides = array<i32>} : memref<400xi32, #tpu.memory_space<vmem>>, vector<16xi32>,
        %scan3A_46 = arith.constant 1 : i32
        %scan3A_47 = arith.addi %scan3A_36, %scan3A_46 : i32
        %mul3A_48 = arith.constant 16 : i32
        %mul3A_49 = arith.muli %scan3A_47, %mul3A_48 : i32
        %get3A_50 = arith.index_cast %mul3A_49 : i32 to index
        %get3A_51 = tpu.vector_load %arg5[%get3A_50] {strides = array<i32>} : memref<400xi32, #tpu.memory_space<vmem>>, vector<16xi32>,
        %shift_right_arithmetic3A_52 = arith.constant 1 : i32
        %shift_right_arithmetic3A_53 = vector.broadcast %shift_right_arithmetic3A_52 : i32 to vector<16xi32>
        %shift_right_arithmetic3A_54 = arith.shrsi %get3A_51, %shift_right_arithmetic3A_53 : vector<16xi32>
        %swap3A_55 = arith.index_cast %mul3A_49 : i32 to index
        %swap3A_56 = tpu.vector_load %arg6[%swap3A_55] {strides = array<i32>} : memref<400xi32, #tpu.memory_space<vmem>>, vector<16xi32>,
        tpu.vector_store %arg6[%swap3A_55], %shift_right_arithmetic3A_54 {strides = array<i32>} : memref<400xi32, #tpu.memory_space<vmem>>, vector<16xi32>,
        %scan3A_57 = arith.constant 2 : i32
        %scan3A_58 = arith.addi %scan3A_36, %scan3A_57 : i32
        %mul3A_59 = arith.constant 16 : i32
        %mul3A_60 = arith.muli %scan3A_58, %mul3A_59 : i32
        %get3A_61 = arith.index_cast %mul3A_60 : i32 to index
        %get3A_62 = tpu.vector_load %arg5[%get3A_61] {strides = array<i32>} : memref<400xi32, #tpu.memory_space<vmem>>, vector<16xi32>,
        %shift_right_arithmetic3A_63 = arith.constant 1 : i32
        %shift_right_arithmetic3A_64 = vector.broadcast %shift_right_arithmetic3A_63 : i32 to vector<16xi32>
        %shift_right_arithmetic3A_65 = arith.shrsi %get3A_62, %shift_right_arithmetic3A_64 : vector<16xi32>
        %swap3A_66 = arith.index_cast %mul3A_60 : i32 to index
        %swap3A_67 = tpu.vector_load %arg6[%swap3A_66] {strides = array<i32>} : memref<400xi32, #tpu.memory_space<vmem>>, vector<16xi32>,
        tpu.vector_store %arg6[%swap3A_66], %shift_right_arithmetic3A_65 {strides = array<i32>} : memref<400xi32, #tpu.memory_space<vmem>>, vector<16xi32>,
        %scan3A_68 = arith.constant 3 : i32
        %scan3A_69 = arith.addi %scan3A_36, %scan3A_68 : i32
        %mul3A_70 = arith.constant 16 : i32
        %mul3A_71 = arith.muli %scan3A_69, %mul3A_70 : i32
        %get3A_72 = arith.index_cast %mul3A_71 : i32 to index
        %get3A_73 = tpu.vector_load %arg5[%get3A_72] {strides = array<i32>} : memref<400xi32, #tpu.memory_space<vmem>>, vector<16xi32>,
        %shift_right_arithmetic3A_74 = arith.constant 1 : i32
        %shift_right_arithmetic3A_75 = vector.broadcast %shift_right_arithmetic3A_74 : i32 to vector<16xi32>
        %shift_right_arithmetic3A_76 = arith.shrsi %get3A_73, %shift_right_arithmetic3A_75 : vector<16xi32>
        %swap3A_77 = arith.index_cast %mul3A_71 : i32 to index
        %swap3A_78 = tpu.vector_load %arg6[%swap3A_77] {strides = array<i32>} : memref<400xi32, #tpu.memory_space<vmem>>, vector<16xi32>,
        tpu.vector_store %arg6[%swap3A_77], %shift_right_arithmetic3A_76 {strides = array<i32>} : memref<400xi32, #tpu.memory_space<vmem>>, vector<16xi32>,
      }
      %scan3A_17 = arith.constant 24 : i32
      %scan3A_18 = arith.addi %scan3A_13, %scan3A_17 : i32
      %mul3A_19 = arith.constant 16 : i32
      %mul3A_20 = arith.muli %scan3A_18, %mul3A_19 : i32
      %get3A = arith.index_cast %mul3A_20 : i32 to index
      %get3A_21 = tpu.vector_load %arg5[%get3A] {strides = array<i32>} : memref<400xi32, #tpu.memory_space<vmem>>, vector<16xi32>,
      %shift_right_arithmetic3A = arith.constant 1 : i32
      %shift_right_arithmetic3A_22 = vector.broadcast %shift_right_arithmetic3A : i32 to vector<16xi32>
      %shift_right_arithmetic3A_23 = arith.shrsi %get3A_21, %shift_right_arithmetic3A_22 : vector<16xi32>
      %swap3A = arith.index_cast %mul3A_20 : i32 to index
      %swap3A_24 = tpu.vector_load %arg6[%swap3A] {strides = array<i32>} : memref<400xi32, #tpu.memory_space<vmem>>, vector<16xi32>,
      tpu.vector_store %arg6[%swap3A], %shift_right_arithmetic3A_23 {strides = array<i32>} : memref<400xi32, #tpu.memory_space<vmem>>, vector<16xi32>,
      %scan3A_25 = arith.constant 25 : i32
      %dma_start3A = arith.constant 0 : i32
      %dma_start3A_26 = arith.constant 0 : i32
      %dma_start3A_27 = tpu.memref_slice %arg3[%dma_start3A, %dma_start3A_26] : memref<500000x128xf32, #tpu.memory_space<hbm>> -> memref<500000x128xf32, #tpu.memory_space<hbm>>
      tpu.enqueue_indirect_dma source(%dma_start3A_27 : memref<500000x128xf32, #tpu.memory_space<hbm>>) target(%arg7 : memref<400x128xf32, #tpu.memory_space<vmem>>) offsets(%arg6 : memref<400xi32, #tpu.memory_space<vmem>>) semaphore(%arg9 : memref<!tpu.dma_semaphore, #tpu.memory_space<semaphore_mem>>)
      %dma_wait3A = arith.constant 0 : i32
      %dma_wait3A_28 = arith.constant 0 : i32
      %dma_wait3A_29 = tpu.memref_slice %arg3[%dma_wait3A, %dma_wait3A_28] : memref<500000x128xf32, #tpu.memory_space<hbm>> -> memref<500000x128xf32, #tpu.memory_space<hbm>>
      tpu.wait_indirect_dma semaphore(%arg9 : memref<!tpu.dma_semaphore, #tpu.memory_space<semaphore_mem>>) src(%dma_wait3A_29 : memref<500000x128xf32, #tpu.memory_space<hbm>>) dst(%arg7 : memref<400x128xf32, #tpu.memory_space<vmem>>)
      %scan3A_30 = arith.constant 0 : i32
      %scan3A_31 = arith.constant 0 : i32
      %scan3A_32 = arith.constant 25 : i32
      %scan3A_33 = arith.addi %scan3A_31, %scan3A_32 : i32
      %scan3A_34 = arith.constant 1 : i32
      scf.for %scan3A_36 = %scan3A_31 to %scan3A_33 step %scan3A_34  : i32 {
        %mul3A_37 = arith.constant 16 : i32
        %mul3A_38 = arith.muli %scan3A_36, %mul3A_37 : i32
        %get3A_39 = arith.index_cast %mul3A_38 : i32 to index
        %get3A_40 = tpu.vector_load %arg5[%get3A_39] {strides = array<i32>} : memref<400xi32, #tpu.memory_space<vmem>>, vector<16xi32>,
        %and3A = arith.constant 1 : i32
        %and3A_41 = vector.broadcast %and3A : i32 to vector<16xi32>
        %and3A_42 = arith.andi %get3A_40, %and3A_41 : vector<16xi32>
        %convert_element_type3A = arith.sitofp %and3A_42 : vector<16xi32> to vector<16xf32>
        %add3A_43 = arith.constant 0 : i32
        %add3A_44 = arith.addi %mul3A_38, %add3A_43 : i32
        %slice3A = vector.extract_strided_slice %convert_element_type3A {offsets = [0], sizes = [1], strides = [1]} : vector<16xf32> to vector<1xf32>
        %squeeze3A = vector.extract %slice3A[0] : f32 from vector<1xf32>
        %get3A_45 = arith.index_cast %add3A_44 : i32 to index
        %get3A_46 = arith.constant 0 : index
        %get3A_47 = tpu.vector_load %arg7[%get3A_45, %get3A_46] {strides = array<i32>} : memref<400x128xf32, #tpu.memory_space<vmem>>, vector<16xf32>,
        %get3A_48 = arith.index_cast %add3A_44 : i32 to index
        %get3A_49 = arith.constant 64 : index
        %get3A_50 = tpu.vector_load %arg7[%get3A_48, %get3A_49] {strides = array<i32>} : memref<400x128xf32, #tpu.memory_space<vmem>>, vector<16xf32>,
        %sub3A = arith.subf %get3A_50, %get3A_47 : vector<16xf32>
        %mul3A_51 = vector.broadcast %squeeze3A : f32 to vector<16xf32>
        %mul3A_52 = arith.mulf %mul3A_51, %sub3A : vector<16xf32>
        %add3A_53 = arith.addf %get3A_47, %mul3A_52 : vector<16xf32>
        %mul3A_54 = arith.constant 8.000000e+00 : f32
        %mul3A_55 = vector.broadcast %mul3A_54 : f32 to vector<16xf32>
        %mul3A_56 = arith.mulf %add3A_53, %mul3A_55 : vector<16xf32>
        %swap3A_57 = arith.index_cast %add3A_44 : i32 to index
        %swap3A_58 = arith.constant 0 : index
        %swap3A_59 = tpu.vector_load %arg8[%swap3A_57, %swap3A_58] {strides = array<i32>} : memref<400x64xf32, #tpu.memory_space<vmem>>, vector<16xf32>,
        tpu.vector_store %arg8[%swap3A_57, %swap3A_58], %mul3A_56 {strides = array<i32>} : memref<400x64xf32, #tpu.memory_space<vmem>>, vector<16xf32>,
        %get3A_60 = arith.index_cast %add3A_44 : i32 to index
        %get3A_61 = arith.constant 16 : index
        %get3A_62 = tpu.vector_load %arg7[%get3A_60, %get3A_61] {strides = array<i32>} : memref<400x128xf32, #tpu.memory_space<vmem>>, vector<16xf32>,
        %get3A_63 = arith.index_cast %add3A_44 : i32 to index
        %get3A_64 = arith.constant 80 : index
        %get3A_65 = tpu.vector_load %arg7[%get3A_63, %get3A_64] {strides = array<i32>} : memref<400x128xf32, #tpu.memory_space<vmem>>, vector<16xf32>,
        %sub3A_66 = arith.subf %get3A_65, %get3A_62 : vector<16xf32>
        %mul3A_67 = vector.broadcast %squeeze3A : f32 to vector<16xf32>
        %mul3A_68 = arith.mulf %mul3A_67, %sub3A_66 : vector<16xf32>
        %add3A_69 = arith.addf %get3A_62, %mul3A_68 : vector<16xf32>
        %mul3A_70 = arith.constant 8.000000e+00 : f32
        %mul3A_71 = vector.broadcast %mul3A_70 : f32 to vector<16xf32>
        %mul3A_72 = arith.mulf %add3A_69, %mul3A_71 : vector<16xf32>
        %swap3A_73 = arith.index_cast %add3A_44 : i32 to index
        %swap3A_74 = arith.constant 16 : index
        %swap3A_75 = tpu.vector_load %arg8[%swap3A_73, %swap3A_74] {strides = array<i32>} : memref<400x64xf32, #tpu.memory_space<vmem>>, vector<16xf32>,
        tpu.vector_store %arg8[%swap3A_73, %swap3A_74], %mul3A_72 {strides = array<i32>} : memref<400x64xf32, #tpu.memory_space<vmem>>, vector<16xf32>,
        %get3A_76 = arith.index_cast %add3A_44 : i32 to index
        %get3A_77 = arith.constant 32 : index
        %get3A_78 = tpu.vector_load %arg7[%get3A_76, %get3A_77] {strides = array<i32>} : memref<400x128xf32, #tpu.memory_space<vmem>>, vector<16xf32>,
        %get3A_79 = arith.index_cast %add3A_44 : i32 to index
        %get3A_80 = arith.constant 96 : index
        %get3A_81 = tpu.vector_load %arg7[%get3A_79, %get3A_80] {strides = array<i32>} : memref<400x128xf32, #tpu.memory_space<vmem>>, vector<16xf32>,
        %sub3A_82 = arith.subf %get3A_81, %get3A_78 : vector<16xf32>
        %mul3A_83 = vector.broadcast %squeeze3A : f32 to vector<16xf32>
        %mul3A_84 = arith.mulf %mul3A_83, %sub3A_82 : vector<16xf32>
        %add3A_85 = arith.addf %get3A_78, %mul3A_84 : vector<16xf32>
        %mul3A_86 = arith.constant 8.000000e+00 : f32
        %mul3A_87 = vector.broadcast %mul3A_86 : f32 to vector<16xf32>
        %mul3A_88 = arith.mulf %add3A_85, %mul3A_87 : vector<16xf32>
        %swap3A_89 = arith.index_cast %add3A_44 : i32 to index
        %swap3A_90 = arith.constant 32 : index
        %swap3A_91 = tpu.vector_load %arg8[%swap3A_89, %swap3A_90] {strides = array<i32>} : memref<400x64xf32, #tpu.memory_space<vmem>>, vector<16xf32>,
        tpu.vector_store %arg8[%swap3A_89, %swap3A_90], %mul3A_88 {strides = array<i32>} : memref<400x64xf32, #tpu.memory_space<vmem>>, vector<16xf32>,
        %get3A_92 = arith.index_cast %add3A_44 : i32 to index
        %get3A_93 = arith.constant 48 : index
        %get3A_94 = tpu.vector_load %arg7[%get3A_92, %get3A_93] {strides = array<i32>} : memref<400x128xf32, #tpu.memory_space<vmem>>, vector<16xf32>,
        %get3A_95 = arith.index_cast %add3A_44 : i32 to index
        %get3A_96 = arith.constant 112 : index
        %get3A_97 = tpu.vector_load %arg7[%get3A_95, %get3A_96] {strides = array<i32>} : memref<400x128xf32, #tpu.memory_space<vmem>>, vector<16xf32>,
        %sub3A_98 = arith.subf %get3A_97, %get3A_94 : vector<16xf32>
        %mul3A_99 = vector.broadcast %squeeze3A : f32 to vector<16xf32>
        %mul3A_100 = arith.mulf %mul3A_99, %sub3A_98 : vector<16xf32>
        %add3A_101 = arith.addf %get3A_94, %mul3A_100 : vector<16xf32>
        %mul3A_102 = arith.constant 8.000000e+00 : f32
        %mul3A_103 = vector.broadcast %mul3A_102 : f32 to vector<16xf32>
        %mul3A_104 = arith.mulf %add3A_101, %mul3A_103 : vector<16xf32>
        %swap3A_105 = arith.index_cast %add3A_44 : i32 to index
        %swap3A_106 = arith.constant 48 : index
        %swap3A_107 = tpu.vector_load %arg8[%swap3A_105, %swap3A_106] {strides = array<i32>} : memref<400x64xf32, #tpu.memory_space<vmem>>, vector<16xf32>,
        tpu.vector_store %arg8[%swap3A_105, %swap3A_106], %mul3A_104 {strides = array<i32>} : memref<400x64xf32, #tpu.memory_space<vmem>>, vector<16xf32>,
        %add3A_108 = arith.constant 1 : i32
        %add3A_109 = arith.addi %mul3A_38, %add3A_108 : i32
        %slice3A_110 = vector.extract_strided_slice %convert_element_type3A {offsets = [1], sizes = [1], strides = [1]} : vector<16xf32> to vector<1xf32>
        %squeeze3A_111 = vector.extract %slice3A_110[0] : f32 from vector<1xf32>
        %get3A_112 = arith.index_cast %add3A_109 : i32 to index
        %get3A_113 = arith.constant 0 : index
        %get3A_114 = tpu.vector_load %arg7[%get3A_112, %get3A_113] {strides = array<i32>} : memref<400x128xf32, #tpu.memory_space<vmem>>, vector<16xf32>,
        %get3A_115 = arith.index_cast %add3A_109 : i32 to index
        %get3A_116 = arith.constant 64 : index
        %get3A_117 = tpu.vector_load %arg7[%get3A_115, %get3A_116] {strides = array<i32>} : memref<400x128xf32, #tpu.memory_space<vmem>>, vector<16xf32>,
        %sub3A_118 = arith.subf %get3A_117, %get3A_114 : vector<16xf32>
        %mul3A_119 = vector.broadcast %squeeze3A_111 : f32 to vector<16xf32>
        %mul3A_120 = arith.mulf %mul3A_119, %sub3A_118 : vector<16xf32>
        %add3A_121 = arith.addf %get3A_114, %mul3A_120 : vector<16xf32>
        %mul3A_122 = arith.constant 8.000000e+00 : f32
        %mul3A_123 = vector.broadcast %mul3A_122 : f32 to vector<16xf32>
        %mul3A_124 = arith.mulf %add3A_121, %mul3A_123 : vector<16xf32>
        %swap3A_125 = arith.index_cast %add3A_109 : i32 to index
        %swap3A_126 = arith.constant 0 : index
        %swap3A_127 = tpu.vector_load %arg8[%swap3A_125, %swap3A_126] {strides = array<i32>} : memref<400x64xf32, #tpu.memory_space<vmem>>, vector<16xf32>,
        tpu.vector_store %arg8[%swap3A_125, %swap3A_126], %mul3A_124 {strides = array<i32>} : memref<400x64xf32, #tpu.memory_space<vmem>>, vector<16xf32>,
        %get3A_128 = arith.index_cast %add3A_109 : i32 to index
        %get3A_129 = arith.constant 16 : index
        %get3A_130 = tpu.vector_load %arg7[%get3A_128, %get3A_129] {strides = array<i32>} : memref<400x128xf32, #tpu.memory_space<vmem>>, vector<16xf32>,
        %get3A_131 = arith.index_cast %add3A_109 : i32 to index
        %get3A_132 = arith.constant 80 : index
        %get3A_133 = tpu.vector_load %arg7[%get3A_131, %get3A_132] {strides = array<i32>} : memref<400x128xf32, #tpu.memory_space<vmem>>, vector<16xf32>,
        %sub3A_134 = arith.subf %get3A_133, %get3A_130 : vector<16xf32>
        %mul3A_135 = vector.broadcast %squeeze3A_111 : f32 to vector<16xf32>
        %mul3A_136 = arith.mulf %mul3A_135, %sub3A_134 : vector<16xf32>
        %add3A_137 = arith.addf %get3A_130, %mul3A_136 : vector<16xf32>
        %mul3A_138 = arith.constant 8.000000e+00 : f32
        %mul3A_139 = vector.broadcast %mul3A_138 : f32 to vector<16xf32>
        %mul3A_140 = arith.mulf %add3A_137, %mul3A_139 : vector<16xf32>
        %swap3A_141 = arith.index_cast %add3A_109 : i32 to index
        %swap3A_142 = arith.constant 16 : index
        %swap3A_143 = tpu.vector_load %arg8[%swap3A_141, %swap3A_142] {strides = array<i32>} : memref<400x64xf32, #tpu.memory_space<vmem>>, vector<16xf32>,
        tpu.vector_store %arg8[%swap3A_141, %swap3A_142], %mul3A_140 {strides = array<i32>} : memref<400x64xf32, #tpu.memory_space<vmem>>, vector<16xf32>,
        %get3A_144 = arith.index_cast %add3A_109 : i32 to index
        %get3A_145 = arith.constant 32 : index
        %get3A_146 = tpu.vector_load %arg7[%get3A_144, %get3A_145] {strides = array<i32>} : memref<400x128xf32, #tpu.memory_space<vmem>>, vector<16xf32>,
        %get3A_147 = arith.index_cast %add3A_109 : i32 to index
        %get3A_148 = arith.constant 96 : index
        %get3A_149 = tpu.vector_load %arg7[%get3A_147, %get3A_148] {strides = array<i32>} : memref<400x128xf32, #tpu.memory_space<vmem>>, vector<16xf32>,
        %sub3A_150 = arith.subf %get3A_149, %get3A_146 : vector<16xf32>
        %mul3A_151 = vector.broadcast %squeeze3A_111 : f32 to vector<16xf32>
        %mul3A_152 = arith.mulf %mul3A_151, %sub3A_150 : vector<16xf32>
        %add3A_153 = arith.addf %get3A_146, %mul3A_152 : vector<16xf32>
        %mul3A_154 = arith.constant 8.000000e+00 : f32
        %mul3A_155 = vector.broadcast %mul3A_154 : f32 to vector<16xf32>
        %mul3A_156 = arith.mulf %add3A_153, %mul3A_155 : vector<16xf32>
        %swap3A_157 = arith.index_cast %add3A_109 : i32 to index
        %swap3A_158 = arith.constant 32 : index
        %swap3A_159 = tpu.vector_load %arg8[%swap3A_157, %swap3A_158] {strides = array<i32>} : memref<400x64xf32, #tpu.memory_space<vmem>>, vector<16xf32>,
        tpu.vector_store %arg8[%swap3A_157, %swap3A_158], %mul3A_156 {strides = array<i32>} : memref<400x64xf32, #tpu.memory_space<vmem>>, vector<16xf32>,
        %get3A_160 = arith.index_cast %add3A_109 : i32 to index
        %get3A_161 = arith.constant 48 : index
        %get3A_162 = tpu.vector_load %arg7[%get3A_160, %get3A_161] {strides = array<i32>} : memref<400x128xf32, #tpu.memory_space<vmem>>, vector<16xf32>,
        %get3A_163 = arith.index_cast %add3A_109 : i32 to index
        %get3A_164 = arith.constant 112 : index
        %get3A_165 = tpu.vector_load %arg7[%get3A_163, %get3A_164] {strides = array<i32>} : memref<400x128xf32, #tpu.memory_space<vmem>>, vector<16xf32>,
        %sub3A_166 = arith.subf %get3A_165, %get3A_162 : vector<16xf32>
        %mul3A_167 = vector.broadcast %squeeze3A_111 : f32 to vector<16xf32>
        %mul3A_168 = arith.mulf %mul3A_167, %sub3A_166 : vector<16xf32>
        %add3A_169 = arith.addf %get3A_162, %mul3A_168 : vector<16xf32>
        %mul3A_170 = arith.constant 8.000000e+00 : f32
        %mul3A_171 = vector.broadcast %mul3A_170 : f32 to vector<16xf32>
        %mul3A_172 = arith.mulf %add3A_169, %mul3A_171 : vector<16xf32>
        %swap3A_173 = arith.index_cast %add3A_109 : i32 to index
        %swap3A_174 = arith.constant 48 : index
        %swap3A_175 = tpu.vector_load %arg8[%swap3A_173, %swap3A_174] {strides = array<i32>} : memref<400x64xf32, #tpu.memory_space<vmem>>, vector<16xf32>,
        tpu.vector_store %arg8[%swap3A_173, %swap3A_174], %mul3A_172 {strides = array<i32>} : memref<400x64xf32, #tpu.memory_space<vmem>>, vector<16xf32>,
        %add3A_176 = arith.constant 2 : i32
        %add3A_177 = arith.addi %mul3A_38, %add3A_176 : i32
        %slice3A_178 = vector.extract_strided_slice %convert_element_type3A {offsets = [2], sizes = [1], strides = [1]} : vector<16xf32> to vector<1xf32>
        %squeeze3A_179 = vector.extract %slice3A_178[0] : f32 from vector<1xf32>
        %get3A_180 = arith.index_cast %add3A_177 : i32 to index
        %get3A_181 = arith.constant 0 : index
        %get3A_182 = tpu.vector_load %arg7[%get3A_180, %get3A_181] {strides = array<i32>} : memref<400x128xf32, #tpu.memory_space<vmem>>, vector<16xf32>,
        %get3A_183 = arith.index_cast %add3A_177 : i32 to index
        %get3A_184 = arith.constant 64 : index
        %get3A_185 = tpu.vector_load %arg7[%get3A_183, %get3A_184] {strides = array<i32>} : memref<400x128xf32, #tpu.memory_space<vmem>>, vector<16xf32>,
        %sub3A_186 = arith.subf %get3A_185, %get3A_182 : vector<16xf32>
        %mul3A_187 = vector.broadcast %squeeze3A_179 : f32 to vector<16xf32>
        %mul3A_188 = arith.mulf %mul3A_187, %sub3A_186 : vector<16xf32>
        %add3A_189 = arith.addf %get3A_182, %mul3A_188 : vector<16xf32>
        %mul3A_190 = arith.constant 8.000000e+00 : f32
        %mul3A_191 = vector.broadcast %mul3A_190 : f32 to vector<16xf32>
        %mul3A_192 = arith.mulf %add3A_189, %mul3A_191 : vector<16xf32>
        %swap3A_193 = arith.index_cast %add3A_177 : i32 to index
        %swap3A_194 = arith.constant 0 : index
        %swap3A_195 = tpu.vector_load %arg8[%swap3A_193, %swap3A_194] {strides = array<i32>} : memref<400x64xf32, #tpu.memory_space<vmem>>, vector<16xf32>,
        tpu.vector_store %arg8[%swap3A_193, %swap3A_194], %mul3A_192 {strides = array<i32>} : memref<400x64xf32, #tpu.memory_space<vmem>>, vector<16xf32>,
        %get3A_196 = arith.index_cast %add3A_177 : i32 to index
        %get3A_197 = arith.constant 16 : index
        %get3A_198 = tpu.vector_load %arg7[%get3A_196, %get3A_197] {strides = array<i32>} : memref<400x128xf32, #tpu.memory_space<vmem>>, vector<16xf32>,
        %get3A_199 = arith.index_cast %add3A_177 : i32 to index
        %get3A_200 = arith.constant 80 : index
        %get3A_201 = tpu.vector_load %arg7[%get3A_199, %get3A_200] {strides = array<i32>} : memref<400x128xf32, #tpu.memory_space<vmem>>, vector<16xf32>,
        %sub3A_202 = arith.subf %get3A_201, %get3A_198 : vector<16xf32>
        %mul3A_203 = vector.broadcast %squeeze3A_179 : f32 to vector<16xf32>
        %mul3A_204 = arith.mulf %mul3A_203, %sub3A_202 : vector<16xf32>
        %add3A_205 = arith.addf %get3A_198, %mul3A_204 : vector<16xf32>
        %mul3A_206 = arith.constant 8.000000e+00 : f32
        %mul3A_207 = vector.broadcast %mul3A_206 : f32 to vector<16xf32>
        %mul3A_208 = arith.mulf %add3A_205, %mul3A_207 : vector<16xf32>
        %swap3A_209 = arith.index_cast %add3A_177 : i32 to index
        %swap3A_210 = arith.constant 16 : index
        %swap3A_211 = tpu.vector_load %arg8[%swap3A_209, %swap3A_210] {strides = array<i32>} : memref<400x64xf32, #tpu.memory_space<vmem>>, vector<16xf32>,
        tpu.vector_store %arg8[%swap3A_209, %swap3A_210], %mul3A_208 {strides = array<i32>} : memref<400x64xf32, #tpu.memory_space<vmem>>, vector<16xf32>,
        %get3A_212 = arith.index_cast %add3A_177 : i32 to index
        %get3A_213 = arith.constant 32 : index
        %get3A_214 = tpu.vector_load %arg7[%get3A_212, %get3A_213] {strides = array<i32>} : memref<400x128xf32, #tpu.memory_space<vmem>>, vector<16xf32>,
        %get3A_215 = arith.index_cast %add3A_177 : i32 to index
        %get3A_216 = arith.constant 96 : index
        %get3A_217 = tpu.vector_load %arg7[%get3A_215, %get3A_216] {strides = array<i32>} : memref<400x128xf32, #tpu.memory_space<vmem>>, vector<16xf32>,
        %sub3A_218 = arith.subf %get3A_217, %get3A_214 : vector<16xf32>
        %mul3A_219 = vector.broadcast %squeeze3A_179 : f32 to vector<16xf32>
        %mul3A_220 = arith.mulf %mul3A_219, %sub3A_218 : vector<16xf32>
        %add3A_221 = arith.addf %get3A_214, %mul3A_220 : vector<16xf32>
        %mul3A_222 = arith.constant 8.000000e+00 : f32
        %mul3A_223 = vector.broadcast %mul3A_222 : f32 to vector<16xf32>
        %mul3A_224 = arith.mulf %add3A_221, %mul3A_223 : vector<16xf32>
        %swap3A_225 = arith.index_cast %add3A_177 : i32 to index
        %swap3A_226 = arith.constant 32 : index
        %swap3A_227 = tpu.vector_load %arg8[%swap3A_225, %swap3A_226] {strides = array<i32>} : memref<400x64xf32, #tpu.memory_space<vmem>>, vector<16xf32>,
        tpu.vector_store %arg8[%swap3A_225, %swap3A_226], %mul3A_224 {strides = array<i32>} : memref<400x64xf32, #tpu.memory_space<vmem>>, vector<16xf32>,
        %get3A_228 = arith.index_cast %add3A_177 : i32 to index
        %get3A_229 = arith.constant 48 : index
        %get3A_230 = tpu.vector_load %arg7[%get3A_228, %get3A_229] {strides = array<i32>} : memref<400x128xf32, #tpu.memory_space<vmem>>, vector<16xf32>,
        %get3A_231 = arith.index_cast %add3A_177 : i32 to index
        %get3A_232 = arith.constant 112 : index
        %get3A_233 = tpu.vector_load %arg7[%get3A_231, %get3A_232] {strides = array<i32>} : memref<400x128xf32, #tpu.memory_space<vmem>>, vector<16xf32>,
        %sub3A_234 = arith.subf %get3A_233, %get3A_230 : vector<16xf32>
        %mul3A_235 = vector.broadcast %squeeze3A_179 : f32 to vector<16xf32>
        %mul3A_236 = arith.mulf %mul3A_235, %sub3A_234 : vector<16xf32>
        %add3A_237 = arith.addf %get3A_230, %mul3A_236 : vector<16xf32>
        %mul3A_238 = arith.constant 8.000000e+00 : f32
        %mul3A_239 = vector.broadcast %mul3A_238 : f32 to vector<16xf32>
        %mul3A_240 = arith.mulf %add3A_237, %mul3A_239 : vector<16xf32>
        %swap3A_241 = arith.index_cast %add3A_177 : i32 to index
        %swap3A_242 = arith.constant 48 : index
        %swap3A_243 = tpu.vector_load %arg8[%swap3A_241, %swap3A_242] {strides = array<i32>} : memref<400x64xf32, #tpu.memory_space<vmem>>, vector<16xf32>,
        tpu.vector_store %arg8[%swap3A_241, %swap3A_242], %mul3A_240 {strides = array<i32>} : memref<400x64xf32, #tpu.memory_space<vmem>>, vector<16xf32>,
        %add3A_244 = arith.constant 3 : i32
        %add3A_245 = arith.addi %mul3A_38, %add3A_244 : i32
        %slice3A_246 = vector.extract_strided_slice %convert_element_type3A {offsets = [3], sizes = [1], strides = [1]} : vector<16xf32> to vector<1xf32>
        %squeeze3A_247 = vector.extract %slice3A_246[0] : f32 from vector<1xf32>
        %get3A_248 = arith.index_cast %add3A_245 : i32 to index
        %get3A_249 = arith.constant 0 : index
        %get3A_250 = tpu.vector_load %arg7[%get3A_248, %get3A_249] {strides = array<i32>} : memref<400x128xf32, #tpu.memory_space<vmem>>, vector<16xf32>,
        %get3A_251 = arith.index_cast %add3A_245 : i32 to index
        %get3A_252 = arith.constant 64 : index
        %get3A_253 = tpu.vector_load %arg7[%get3A_251, %get3A_252] {strides = array<i32>} : memref<400x128xf32, #tpu.memory_space<vmem>>, vector<16xf32>,
        %sub3A_254 = arith.subf %get3A_253, %get3A_250 : vector<16xf32>
        %mul3A_255 = vector.broadcast %squeeze3A_247 : f32 to vector<16xf32>
        %mul3A_256 = arith.mulf %mul3A_255, %sub3A_254 : vector<16xf32>
        %add3A_257 = arith.addf %get3A_250, %mul3A_256 : vector<16xf32>
        %mul3A_258 = arith.constant 8.000000e+00 : f32
        %mul3A_259 = vector.broadcast %mul3A_258 : f32 to vector<16xf32>
        %mul3A_260 = arith.mulf %add3A_257, %mul3A_259 : vector<16xf32>
        %swap3A_261 = arith.index_cast %add3A_245 : i32 to index
        %swap3A_262 = arith.constant 0 : index
        %swap3A_263 = tpu.vector_load %arg8[%swap3A_261, %swap3A_262] {strides = array<i32>} : memref<400x64xf32, #tpu.memory_space<vmem>>, vector<16xf32>,
        tpu.vector_store %arg8[%swap3A_261, %swap3A_262], %mul3A_260 {strides = array<i32>} : memref<400x64xf32, #tpu.memory_space<vmem>>, vector<16xf32>,
        %get3A_264 = arith.index_cast %add3A_245 : i32 to index
        %get3A_265 = arith.constant 16 : index
        %get3A_266 = tpu.vector_load %arg7[%get3A_264, %get3A_265] {strides = array<i32>} : memref<400x128xf32, #tpu.memory_space<vmem>>, vector<16xf32>,
        %get3A_267 = arith.index_cast %add3A_245 : i32 to index
        %get3A_268 = arith.constant 80 : index
        %get3A_269 = tpu.vector_load %arg7[%get3A_267, %get3A_268] {strides = array<i32>} : memref<400x128xf32, #tpu.memory_space<vmem>>, vector<16xf32>,
        %sub3A_270 = arith.subf %get3A_269, %get3A_266 : vector<16xf32>
        %mul3A_271 = vector.broadcast %squeeze3A_247 : f32 to vector<16xf32>
        %mul3A_272 = arith.mulf %mul3A_271, %sub3A_270 : vector<16xf32>
        %add3A_273 = arith.addf %get3A_266, %mul3A_272 : vector<16xf32>
        %mul3A_274 = arith.constant 8.000000e+00 : f32
        %mul3A_275 = vector.broadcast %mul3A_274 : f32 to vector<16xf32>
        %mul3A_276 = arith.mulf %add3A_273, %mul3A_275 : vector<16xf32>
        %swap3A_277 = arith.index_cast %add3A_245 : i32 to index
        %swap3A_278 = arith.constant 16 : index
        %swap3A_279 = tpu.vector_load %arg8[%swap3A_277, %swap3A_278] {strides = array<i32>} : memref<400x64xf32, #tpu.memory_space<vmem>>, vector<16xf32>,
        tpu.vector_store %arg8[%swap3A_277, %swap3A_278], %mul3A_276 {strides = array<i32>} : memref<400x64xf32, #tpu.memory_space<vmem>>, vector<16xf32>,
        %get3A_280 = arith.index_cast %add3A_245 : i32 to index
        %get3A_281 = arith.constant 32 : index
        %get3A_282 = tpu.vector_load %arg7[%get3A_280, %get3A_281] {strides = array<i32>} : memref<400x128xf32, #tpu.memory_space<vmem>>, vector<16xf32>,
        %get3A_283 = arith.index_cast %add3A_245 : i32 to index
        %get3A_284 = arith.constant 96 : index
        %get3A_285 = tpu.vector_load %arg7[%get3A_283, %get3A_284] {strides = array<i32>} : memref<400x128xf32, #tpu.memory_space<vmem>>, vector<16xf32>,
        %sub3A_286 = arith.subf %get3A_285, %get3A_282 : vector<16xf32>
        %mul3A_287 = vector.broadcast %squeeze3A_247 : f32 to vector<16xf32>
        %mul3A_288 = arith.mulf %mul3A_287, %sub3A_286 : vector<16xf32>
        %add3A_289 = arith.addf %get3A_282, %mul3A_288 : vector<16xf32>
        %mul3A_290 = arith.constant 8.000000e+00 : f32
        %mul3A_291 = vector.broadcast %mul3A_290 : f32 to vector<16xf32>
        %mul3A_292 = arith.mulf %add3A_289, %mul3A_291 : vector<16xf32>
        %swap3A_293 = arith.index_cast %add3A_245 : i32 to index
        %swap3A_294 = arith.constant 32 : index
        %swap3A_295 = tpu.vector_load %arg8[%swap3A_293, %swap3A_294] {strides = array<i32>} : memref<400x64xf32, #tpu.memory_space<vmem>>, vector<16xf32>,
        tpu.vector_store %arg8[%swap3A_293, %swap3A_294], %mul3A_292 {strides = array<i32>} : memref<400x64xf32, #tpu.memory_space<vmem>>, vector<16xf32>,
        %get3A_296 = arith.index_cast %add3A_245 : i32 to index
        %get3A_297 = arith.constant 48 : index
        %get3A_298 = tpu.vector_load %arg7[%get3A_296, %get3A_297] {strides = array<i32>} : memref<400x128xf32, #tpu.memory_space<vmem>>, vector<16xf32>,
        %get3A_299 = arith.index_cast %add3A_245 : i32 to index
        %get3A_300 = arith.constant 112 : index
        %get3A_301 = tpu.vector_load %arg7[%get3A_299, %get3A_300] {strides = array<i32>} : memref<400x128xf32, #tpu.memory_space<vmem>>, vector<16xf32>,
        %sub3A_302 = arith.subf %get3A_301, %get3A_298 : vector<16xf32>
        %mul3A_303 = vector.broadcast %squeeze3A_247 : f32 to vector<16xf32>
        %mul3A_304 = arith.mulf %mul3A_303, %sub3A_302 : vector<16xf32>
        %add3A_305 = arith.addf %get3A_298, %mul3A_304 : vector<16xf32>
        %mul3A_306 = arith.constant 8.000000e+00 : f32
        %mul3A_307 = vector.broadcast %mul3A_306 : f32 to vector<16xf32>
        %mul3A_308 = arith.mulf %add3A_305, %mul3A_307 : vector<16xf32>
        %swap3A_309 = arith.index_cast %add3A_245 : i32 to index
        %swap3A_310 = arith.constant 48 : index
        %swap3A_311 = tpu.vector_load %arg8[%swap3A_309, %swap3A_310] {strides = array<i32>} : memref<400x64xf32, #tpu.memory_space<vmem>>, vector<16xf32>,
        tpu.vector_store %arg8[%swap3A_309, %swap3A_310], %mul3A_308 {strides = array<i32>} : memref<400x64xf32, #tpu.memory_space<vmem>>, vector<16xf32>,
        %add3A_312 = arith.constant 4 : i32
        %add3A_313 = arith.addi %mul3A_38, %add3A_312 : i32
        %slice3A_314 = vector.extract_strided_slice %convert_element_type3A {offsets = [4], sizes = [1], strides = [1]} : vector<16xf32> to vector<1xf32>
        %squeeze3A_315 = vector.extract %slice3A_314[0] : f32 from vector<1xf32>
        %get3A_316 = arith.index_cast %add3A_313 : i32 to index
        %get3A_317 = arith.constant 0 : index
        %get3A_318 = tpu.vector_load %arg7[%get3A_316, %get3A_317] {strides = array<i32>} : memref<400x128xf32, #tpu.memory_space<vmem>>, vector<16xf32>,
        %get3A_319 = arith.index_cast %add3A_313 : i32 to index
        %get3A_320 = arith.constant 64 : index
        %get3A_321 = tpu.vector_load %arg7[%get3A_319, %get3A_320] {strides = array<i32>} : memref<400x128xf32, #tpu.memory_space<vmem>>, vector<16xf32>,
        %sub3A_322 = arith.subf %get3A_321, %get3A_318 : vector<16xf32>
        %mul3A_323 = vector.broadcast %squeeze3A_315 : f32 to vector<16xf32>
        %mul3A_324 = arith.mulf %mul3A_323, %sub3A_322 : vector<16xf32>
        %add3A_325 = arith.addf %get3A_318, %mul3A_324 : vector<16xf32>
        %mul3A_326 = arith.constant 8.000000e+00 : f32
        %mul3A_327 = vector.broadcast %mul3A_326 : f32 to vector<16xf32>
        %mul3A_328 = arith.mulf %add3A_325, %mul3A_327 : vector<16xf32>
        %swap3A_329 = arith.index_cast %add3A_313 : i32 to index
        %swap3A_330 = arith.constant 0 : index
        %swap3A_331 = tpu.vector_load %arg8[%swap3A_329, %swap3A_330] {strides = array<i32>} : memref<400x64xf32, #tpu.memory_space<vmem>>, vector<16xf32>,
        tpu.vector_store %arg8[%swap3A_329, %swap3A_330], %mul3A_328 {strides = array<i32>} : memref<400x64xf32, #tpu.memory_space<vmem>>, vector<16xf32>,
        %get3A_332 = arith.index_cast %add3A_313 : i32 to index
        %get3A_333 = arith.constant 16 : index
        %get3A_334 = tpu.vector_load %arg7[%get3A_332, %get3A_333] {strides = array<i32>} : memref<400x128xf32, #tpu.memory_space<vmem>>, vector<16xf32>,
        %get3A_335 = arith.index_cast %add3A_313 : i32 to index
        %get3A_336 = arith.constant 80 : index
        %get3A_337 = tpu.vector_load %arg7[%get3A_335, %get3A_336] {strides = array<i32>} : memref<400x128xf32, #tpu.memory_space<vmem>>, vector<16xf32>,
        %sub3A_338 = arith.subf %get3A_337, %get3A_334 : vector<16xf32>
        %mul3A_339 = vector.broadcast %squeeze3A_315 : f32 to vector<16xf32>
        %mul3A_340 = arith.mulf %mul3A_339, %sub3A_338 : vector<16xf32>
        %add3A_341 = arith.addf %get3A_334, %mul3A_340 : vector<16xf32>
        %mul3A_342 = arith.constant 8.000000e+00 : f32
        %mul3A_343 = vector.broadcast %mul3A_342 : f32 to vector<16xf32>
        %mul3A_344 = arith.mulf %add3A_341, %mul3A_343 : vector<16xf32>
        %swap3A_345 = arith.index_cast %add3A_313 : i32 to index
        %swap3A_346 = arith.constant 16 : index
        %swap3A_347 = tpu.vector_load %arg8[%swap3A_345, %swap3A_346] {strides = array<i32>} : memref<400x64xf32, #tpu.memory_space<vmem>>, vector<16xf32>,
        tpu.vector_store %arg8[%swap3A_345, %swap3A_346], %mul3A_344 {strides = array<i32>} : memref<400x64xf32, #tpu.memory_space<vmem>>, vector<16xf32>,
        %get3A_348 = arith.index_cast %add3A_313 : i32 to index
        %get3A_349 = arith.constant 32 : index
        %get3A_350 = tpu.vector_load %arg7[%get3A_348, %get3A_349] {strides = array<i32>} : memref<400x128xf32, #tpu.memory_space<vmem>>, vector<16xf32>,
        %get3A_351 = arith.index_cast %add3A_313 : i32 to index
        %get3A_352 = arith.constant 96 : index
        %get3A_353 = tpu.vector_load %arg7[%get3A_351, %get3A_352] {strides = array<i32>} : memref<400x128xf32, #tpu.memory_space<vmem>>, vector<16xf32>,
        %sub3A_354 = arith.subf %get3A_353, %get3A_350 : vector<16xf32>
        %mul3A_355 = vector.broadcast %squeeze3A_315 : f32 to vector<16xf32>
        %mul3A_356 = arith.mulf %mul3A_355, %sub3A_354 : vector<16xf32>
        %add3A_357 = arith.addf %get3A_350, %mul3A_356 : vector<16xf32>
        %mul3A_358 = arith.constant 8.000000e+00 : f32
        %mul3A_359 = vector.broadcast %mul3A_358 : f32 to vector<16xf32>
        %mul3A_360 = arith.mulf %add3A_357, %mul3A_359 : vector<16xf32>
        %swap3A_361 = arith.index_cast %add3A_313 : i32 to index
        %swap3A_362 = arith.constant 32 : index
        %swap3A_363 = tpu.vector_load %arg8[%swap3A_361, %swap3A_362] {strides = array<i32>} : memref<400x64xf32, #tpu.memory_space<vmem>>, vector<16xf32>,
        tpu.vector_store %arg8[%swap3A_361, %swap3A_362], %mul3A_360 {strides = array<i32>} : memref<400x64xf32, #tpu.memory_space<vmem>>, vector<16xf32>,
        %get3A_364 = arith.index_cast %add3A_313 : i32 to index
        %get3A_365 = arith.constant 48 : index
        %get3A_366 = tpu.vector_load %arg7[%get3A_364, %get3A_365] {strides = array<i32>} : memref<400x128xf32, #tpu.memory_space<vmem>>, vector<16xf32>,
        %get3A_367 = arith.index_cast %add3A_313 : i32 to index
        %get3A_368 = arith.constant 112 : index
        %get3A_369 = tpu.vector_load %arg7[%get3A_367, %get3A_368] {strides = array<i32>} : memref<400x128xf32, #tpu.memory_space<vmem>>, vector<16xf32>,
        %sub3A_370 = arith.subf %get3A_369, %get3A_366 : vector<16xf32>
        %mul3A_371 = vector.broadcast %squeeze3A_315 : f32 to vector<16xf32>
        %mul3A_372 = arith.mulf %mul3A_371, %sub3A_370 : vector<16xf32>
        %add3A_373 = arith.addf %get3A_366, %mul3A_372 : vector<16xf32>
        %mul3A_374 = arith.constant 8.000000e+00 : f32
        %mul3A_375 = vector.broadcast %mul3A_374 : f32 to vector<16xf32>
        %mul3A_376 = arith.mulf %add3A_373, %mul3A_375 : vector<16xf32>
        %swap3A_377 = arith.index_cast %add3A_313 : i32 to index
        %swap3A_378 = arith.constant 48 : index
        %swap3A_379 = tpu.vector_load %arg8[%swap3A_377, %swap3A_378] {strides = array<i32>} : memref<400x64xf32, #tpu.memory_space<vmem>>, vector<16xf32>,
        tpu.vector_store %arg8[%swap3A_377, %swap3A_378], %mul3A_376 {strides = array<i32>} : memref<400x64xf32, #tpu.memory_space<vmem>>, vector<16xf32>,
        %add3A_380 = arith.constant 5 : i32
        %add3A_381 = arith.addi %mul3A_38, %add3A_380 : i32
        %slice3A_382 = vector.extract_strided_slice %convert_element_type3A {offsets = [5], sizes = [1], strides = [1]} : vector<16xf32> to vector<1xf32>
        %squeeze3A_383 = vector.extract %slice3A_382[0] : f32 from vector<1xf32>
        %get3A_384 = arith.index_cast %add3A_381 : i32 to index
        %get3A_385 = arith.constant 0 : index
        %get3A_386 = tpu.vector_load %arg7[%get3A_384, %get3A_385] {strides = array<i32>} : memref<400x128xf32, #tpu.memory_space<vmem>>, vector<16xf32>,
        %get3A_387 = arith.index_cast %add3A_381 : i32 to index
        %get3A_388 = arith.constant 64 : index
        %get3A_389 = tpu.vector_load %arg7[%get3A_387, %get3A_388] {strides = array<i32>} : memref<400x128xf32, #tpu.memory_space<vmem>>, vector<16xf32>,
        %sub3A_390 = arith.subf %get3A_389, %get3A_386 : vector<16xf32>
        %mul3A_391 = vector.broadcast %squeeze3A_383 : f32 to vector<16xf32>
        %mul3A_392 = arith.mulf %mul3A_391, %sub3A_390 : vector<16xf32>
        %add3A_393 = arith.addf %get3A_386, %mul3A_392 : vector<16xf32>
        %mul3A_394 = arith.constant 8.000000e+00 : f32
        %mul3A_395 = vector.broadcast %mul3A_394 : f32 to vector<16xf32>
        %mul3A_396 = arith.mulf %add3A_393, %mul3A_395 : vector<16xf32>
        %swap3A_397 = arith.index_cast %add3A_381 : i32 to index
        %swap3A_398 = arith.constant 0 : index
        %swap3A_399 = tpu.vector_load %arg8[%swap3A_397, %swap3A_398] {strides = array<i32>} : memref<400x64xf32, #tpu.memory_space<vmem>>, vector<16xf32>,
        tpu.vector_store %arg8[%swap3A_397, %swap3A_398], %mul3A_396 {strides = array<i32>} : memref<400x64xf32, #tpu.memory_space<vmem>>, vector<16xf32>,
        %get3A_400 = arith.index_cast %add3A_381 : i32 to index
        %get3A_401 = arith.constant 16 : index
        %get3A_402 = tpu.vector_load %arg7[%get3A_400, %get3A_401] {strides = array<i32>} : memref<400x128xf32, #tpu.memory_space<vmem>>, vector<16xf32>,
        %get3A_403 = arith.index_cast %add3A_381 : i32 to index
        %get3A_404 = arith.constant 80 : index
        %get3A_405 = tpu.vector_load %arg7[%get3A_403, %get3A_404] {strides = array<i32>} : memref<400x128xf32, #tpu.memory_space<vmem>>, vector<16xf32>,
        %sub3A_406 = arith.subf %get3A_405, %get3A_402 : vector<16xf32>
        %mul3A_407 = vector.broadcast %squeeze3A_383 : f32 to vector<16xf32>
        %mul3A_408 = arith.mulf %mul3A_407, %sub3A_406 : vector<16xf32>
        %add3A_409 = arith.addf %get3A_402, %mul3A_408 : vector<16xf32>
        %mul3A_410 = arith.constant 8.000000e+00 : f32
        %mul3A_411 = vector.broadcast %mul3A_410 : f32 to vector<16xf32>
        %mul3A_412 = arith.mulf %add3A_409, %mul3A_411 : vector<16xf32>
        %swap3A_413 = arith.index_cast %add3A_381 : i32 to index
        %swap3A_414 = arith.constant 16 : index
        %swap3A_415 = tpu.vector_load %arg8[%swap3A_413, %swap3A_414] {strides = array<i32>} : memref<400x64xf32, #tpu.memory_space<vmem>>, vector<16xf32>,
        tpu.vector_store %arg8[%swap3A_413, %swap3A_414], %mul3A_412 {strides = array<i32>} : memref<400x64xf32, #tpu.memory_space<vmem>>, vector<16xf32>,
        %get3A_416 = arith.index_cast %add3A_381 : i32 to index
        %get3A_417 = arith.constant 32 : index
        %get3A_418 = tpu.vector_load %arg7[%get3A_416, %get3A_417] {strides = array<i32>} : memref<400x128xf32, #tpu.memory_space<vmem>>, vector<16xf32>,
        %get3A_419 = arith.index_cast %add3A_381 : i32 to index
        %get3A_420 = arith.constant 96 : index
        %get3A_421 = tpu.vector_load %arg7[%get3A_419, %get3A_420] {strides = array<i32>} : memref<400x128xf32, #tpu.memory_space<vmem>>, vector<16xf32>,
        %sub3A_422 = arith.subf %get3A_421, %get3A_418 : vector<16xf32>
        %mul3A_423 = vector.broadcast %squeeze3A_383 : f32 to vector<16xf32>
        %mul3A_424 = arith.mulf %mul3A_423, %sub3A_422 : vector<16xf32>
        %add3A_425 = arith.addf %get3A_418, %mul3A_424 : vector<16xf32>
        %mul3A_426 = arith.constant 8.000000e+00 : f32
        %mul3A_427 = vector.broadcast %mul3A_426 : f32 to vector<16xf32>
        %mul3A_428 = arith.mulf %add3A_425, %mul3A_427 : vector<16xf32>
        %swap3A_429 = arith.index_cast %add3A_381 : i32 to index
        %swap3A_430 = arith.constant 32 : index
        %swap3A_431 = tpu.vector_load %arg8[%swap3A_429, %swap3A_430] {strides = array<i32>} : memref<400x64xf32, #tpu.memory_space<vmem>>, vector<16xf32>,
        tpu.vector_store %arg8[%swap3A_429, %swap3A_430], %mul3A_428 {strides = array<i32>} : memref<400x64xf32, #tpu.memory_space<vmem>>, vector<16xf32>,
        %get3A_432 = arith.index_cast %add3A_381 : i32 to index
        %get3A_433 = arith.constant 48 : index
        %get3A_434 = tpu.vector_load %arg7[%get3A_432, %get3A_433] {strides = array<i32>} : memref<400x128xf32, #tpu.memory_space<vmem>>, vector<16xf32>,
        %get3A_435 = arith.index_cast %add3A_381 : i32 to index
        %get3A_436 = arith.constant 112 : index
        %get3A_437 = tpu.vector_load %arg7[%get3A_435, %get3A_436] {strides = array<i32>} : memref<400x128xf32, #tpu.memory_space<vmem>>, vector<16xf32>,
        %sub3A_438 = arith.subf %get3A_437, %get3A_434 : vector<16xf32>
        %mul3A_439 = vector.broadcast %squeeze3A_383 : f32 to vector<16xf32>
        %mul3A_440 = arith.mulf %mul3A_439, %sub3A_438 : vector<16xf32>
        %add3A_441 = arith.addf %get3A_434, %mul3A_440 : vector<16xf32>
        %mul3A_442 = arith.constant 8.000000e+00 : f32
        %mul3A_443 = vector.broadcast %mul3A_442 : f32 to vector<16xf32>
        %mul3A_444 = arith.mulf %add3A_441, %mul3A_443 : vector<16xf32>
        %swap3A_445 = arith.index_cast %add3A_381 : i32 to index
        %swap3A_446 = arith.constant 48 : index
        %swap3A_447 = tpu.vector_load %arg8[%swap3A_445, %swap3A_446] {strides = array<i32>} : memref<400x64xf32, #tpu.memory_space<vmem>>, vector<16xf32>,
        tpu.vector_store %arg8[%swap3A_445, %swap3A_446], %mul3A_444 {strides = array<i32>} : memref<400x64xf32, #tpu.memory_space<vmem>>, vector<16xf32>,
        %add3A_448 = arith.constant 6 : i32
        %add3A_449 = arith.addi %mul3A_38, %add3A_448 : i32
        %slice3A_450 = vector.extract_strided_slice %convert_element_type3A {offsets = [6], sizes = [1], strides = [1]} : vector<16xf32> to vector<1xf32>
        %squeeze3A_451 = vector.extract %slice3A_450[0] : f32 from vector<1xf32>
        %get3A_452 = arith.index_cast %add3A_449 : i32 to index
        %get3A_453 = arith.constant 0 : index
        %get3A_454 = tpu.vector_load %arg7[%get3A_452, %get3A_453] {strides = array<i32>} : memref<400x128xf32, #tpu.memory_space<vmem>>, vector<16xf32>,
        %get3A_455 = arith.index_cast %add3A_449 : i32 to index
        %get3A_456 = arith.constant 64 : index
        %get3A_457 = tpu.vector_load %arg7[%get3A_455, %get3A_456] {strides = array<i32>} : memref<400x128xf32, #tpu.memory_space<vmem>>, vector<16xf32>,
        %sub3A_458 = arith.subf %get3A_457, %get3A_454 : vector<16xf32>
        %mul3A_459 = vector.broadcast %squeeze3A_451 : f32 to vector<16xf32>
        %mul3A_460 = arith.mulf %mul3A_459, %sub3A_458 : vector<16xf32>
        %add3A_461 = arith.addf %get3A_454, %mul3A_460 : vector<16xf32>
        %mul3A_462 = arith.constant 8.000000e+00 : f32
        %mul3A_463 = vector.broadcast %mul3A_462 : f32 to vector<16xf32>
        %mul3A_464 = arith.mulf %add3A_461, %mul3A_463 : vector<16xf32>
        %swap3A_465 = arith.index_cast %add3A_449 : i32 to index
        %swap3A_466 = arith.constant 0 : index
        %swap3A_467 = tpu.vector_load %arg8[%swap3A_465, %swap3A_466] {strides = array<i32>} : memref<400x64xf32, #tpu.memory_space<vmem>>, vector<16xf32>,
        tpu.vector_store %arg8[%swap3A_465, %swap3A_466], %mul3A_464 {strides = array<i32>} : memref<400x64xf32, #tpu.memory_space<vmem>>, vector<16xf32>,
        %get3A_468 = arith.index_cast %add3A_449 : i32 to index
        %get3A_469 = arith.constant 16 : index
        %get3A_470 = tpu.vector_load %arg7[%get3A_468, %get3A_469] {strides = array<i32>} : memref<400x128xf32, #tpu.memory_space<vmem>>, vector<16xf32>,
        %get3A_471 = arith.index_cast %add3A_449 : i32 to index
        %get3A_472 = arith.constant 80 : index
        %get3A_473 = tpu.vector_load %arg7[%get3A_471, %get3A_472] {strides = array<i32>} : memref<400x128xf32, #tpu.memory_space<vmem>>, vector<16xf32>,
        %sub3A_474 = arith.subf %get3A_473, %get3A_470 : vector<16xf32>
        %mul3A_475 = vector.broadcast %squeeze3A_451 : f32 to vector<16xf32>
        %mul3A_476 = arith.mulf %mul3A_475, %sub3A_474 : vector<16xf32>
        %add3A_477 = arith.addf %get3A_470, %mul3A_476 : vector<16xf32>
        %mul3A_478 = arith.constant 8.000000e+00 : f32
        %mul3A_479 = vector.broadcast %mul3A_478 : f32 to vector<16xf32>
        %mul3A_480 = arith.mulf %add3A_477, %mul3A_479 : vector<16xf32>
        %swap3A_481 = arith.index_cast %add3A_449 : i32 to index
        %swap3A_482 = arith.constant 16 : index
        %swap3A_483 = tpu.vector_load %arg8[%swap3A_481, %swap3A_482] {strides = array<i32>} : memref<400x64xf32, #tpu.memory_space<vmem>>, vector<16xf32>,
        tpu.vector_store %arg8[%swap3A_481, %swap3A_482], %mul3A_480 {strides = array<i32>} : memref<400x64xf32, #tpu.memory_space<vmem>>, vector<16xf32>,
        %get3A_484 = arith.index_cast %add3A_449 : i32 to index
        %get3A_485 = arith.constant 32 : index
        %get3A_486 = tpu.vector_load %arg7[%get3A_484, %get3A_485] {strides = array<i32>} : memref<400x128xf32, #tpu.memory_space<vmem>>, vector<16xf32>,
        %get3A_487 = arith.index_cast %add3A_449 : i32 to index
        %get3A_488 = arith.constant 96 : index
        %get3A_489 = tpu.vector_load %arg7[%get3A_487, %get3A_488] {strides = array<i32>} : memref<400x128xf32, #tpu.memory_space<vmem>>, vector<16xf32>,
        %sub3A_490 = arith.subf %get3A_489, %get3A_486 : vector<16xf32>
        %mul3A_491 = vector.broadcast %squeeze3A_451 : f32 to vector<16xf32>
        %mul3A_492 = arith.mulf %mul3A_491, %sub3A_490 : vector<16xf32>
        %add3A_493 = arith.addf %get3A_486, %mul3A_492 : vector<16xf32>
        %mul3A_494 = arith.constant 8.000000e+00 : f32
        %mul3A_495 = vector.broadcast %mul3A_494 : f32 to vector<16xf32>
        %mul3A_496 = arith.mulf %add3A_493, %mul3A_495 : vector<16xf32>
        %swap3A_497 = arith.index_cast %add3A_449 : i32 to index
        %swap3A_498 = arith.constant 32 : index
        %swap3A_499 = tpu.vector_load %arg8[%swap3A_497, %swap3A_498] {strides = array<i32>} : memref<400x64xf32, #tpu.memory_space<vmem>>, vector<16xf32>,
        tpu.vector_store %arg8[%swap3A_497, %swap3A_498], %mul3A_496 {strides = array<i32>} : memref<400x64xf32, #tpu.memory_space<vmem>>, vector<16xf32>,
        %get3A_500 = arith.index_cast %add3A_449 : i32 to index
        %get3A_501 = arith.constant 48 : index
        %get3A_502 = tpu.vector_load %arg7[%get3A_500, %get3A_501] {strides = array<i32>} : memref<400x128xf32, #tpu.memory_space<vmem>>, vector<16xf32>,
        %get3A_503 = arith.index_cast %add3A_449 : i32 to index
        %get3A_504 = arith.constant 112 : index
        %get3A_505 = tpu.vector_load %arg7[%get3A_503, %get3A_504] {strides = array<i32>} : memref<400x128xf32, #tpu.memory_space<vmem>>, vector<16xf32>,
        %sub3A_506 = arith.subf %get3A_505, %get3A_502 : vector<16xf32>
        %mul3A_507 = vector.broadcast %squeeze3A_451 : f32 to vector<16xf32>
        %mul3A_508 = arith.mulf %mul3A_507, %sub3A_506 : vector<16xf32>
        %add3A_509 = arith.addf %get3A_502, %mul3A_508 : vector<16xf32>
        %mul3A_510 = arith.constant 8.000000e+00 : f32
        %mul3A_511 = vector.broadcast %mul3A_510 : f32 to vector<16xf32>
        %mul3A_512 = arith.mulf %add3A_509, %mul3A_511 : vector<16xf32>
        %swap3A_513 = arith.index_cast %add3A_449 : i32 to index
        %swap3A_514 = arith.constant 48 : index
        %swap3A_515 = tpu.vector_load %arg8[%swap3A_513, %swap3A_514] {strides = array<i32>} : memref<400x64xf32, #tpu.memory_space<vmem>>, vector<16xf32>,
        tpu.vector_store %arg8[%swap3A_513, %swap3A_514], %mul3A_512 {strides = array<i32>} : memref<400x64xf32, #tpu.memory_space<vmem>>, vector<16xf32>,
        %add3A_516 = arith.constant 7 : i32
        %add3A_517 = arith.addi %mul3A_38, %add3A_516 : i32
        %slice3A_518 = vector.extract_strided_slice %convert_element_type3A {offsets = [7], sizes = [1], strides = [1]} : vector<16xf32> to vector<1xf32>
        %squeeze3A_519 = vector.extract %slice3A_518[0] : f32 from vector<1xf32>
        %get3A_520 = arith.index_cast %add3A_517 : i32 to index
        %get3A_521 = arith.constant 0 : index
        %get3A_522 = tpu.vector_load %arg7[%get3A_520, %get3A_521] {strides = array<i32>} : memref<400x128xf32, #tpu.memory_space<vmem>>, vector<16xf32>,
        %get3A_523 = arith.index_cast %add3A_517 : i32 to index
        %get3A_524 = arith.constant 64 : index
        %get3A_525 = tpu.vector_load %arg7[%get3A_523, %get3A_524] {strides = array<i32>} : memref<400x128xf32, #tpu.memory_space<vmem>>, vector<16xf32>,
        %sub3A_526 = arith.subf %get3A_525, %get3A_522 : vector<16xf32>
        %mul3A_527 = vector.broadcast %squeeze3A_519 : f32 to vector<16xf32>
        %mul3A_528 = arith.mulf %mul3A_527, %sub3A_526 : vector<16xf32>
        %add3A_529 = arith.addf %get3A_522, %mul3A_528 : vector<16xf32>
        %mul3A_530 = arith.constant 8.000000e+00 : f32
        %mul3A_531 = vector.broadcast %mul3A_530 : f32 to vector<16xf32>
        %mul3A_532 = arith.mulf %add3A_529, %mul3A_531 : vector<16xf32>
        %swap3A_533 = arith.index_cast %add3A_517 : i32 to index
        %swap3A_534 = arith.constant 0 : index
        %swap3A_535 = tpu.vector_load %arg8[%swap3A_533, %swap3A_534] {strides = array<i32>} : memref<400x64xf32, #tpu.memory_space<vmem>>, vector<16xf32>,
        tpu.vector_store %arg8[%swap3A_533, %swap3A_534], %mul3A_532 {strides = array<i32>} : memref<400x64xf32, #tpu.memory_space<vmem>>, vector<16xf32>,
        %get3A_536 = arith.index_cast %add3A_517 : i32 to index
        %get3A_537 = arith.constant 16 : index
        %get3A_538 = tpu.vector_load %arg7[%get3A_536, %get3A_537] {strides = array<i32>} : memref<400x128xf32, #tpu.memory_space<vmem>>, vector<16xf32>,
        %get3A_539 = arith.index_cast %add3A_517 : i32 to index
        %get3A_540 = arith.constant 80 : index
        %get3A_541 = tpu.vector_load %arg7[%get3A_539, %get3A_540] {strides = array<i32>} : memref<400x128xf32, #tpu.memory_space<vmem>>, vector<16xf32>,
        %sub3A_542 = arith.subf %get3A_541, %get3A_538 : vector<16xf32>
        %mul3A_543 = vector.broadcast %squeeze3A_519 : f32 to vector<16xf32>
        %mul3A_544 = arith.mulf %mul3A_543, %sub3A_542 : vector<16xf32>
        %add3A_545 = arith.addf %get3A_538, %mul3A_544 : vector<16xf32>
        %mul3A_546 = arith.constant 8.000000e+00 : f32
        %mul3A_547 = vector.broadcast %mul3A_546 : f32 to vector<16xf32>
        %mul3A_548 = arith.mulf %add3A_545, %mul3A_547 : vector<16xf32>
        %swap3A_549 = arith.index_cast %add3A_517 : i32 to index
        %swap3A_550 = arith.constant 16 : index
        %swap3A_551 = tpu.vector_load %arg8[%swap3A_549, %swap3A_550] {strides = array<i32>} : memref<400x64xf32, #tpu.memory_space<vmem>>, vector<16xf32>,
        tpu.vector_store %arg8[%swap3A_549, %swap3A_550], %mul3A_548 {strides = array<i32>} : memref<400x64xf32, #tpu.memory_space<vmem>>, vector<16xf32>,
        %get3A_552 = arith.index_cast %add3A_517 : i32 to index
        %get3A_553 = arith.constant 32 : index
        %get3A_554 = tpu.vector_load %arg7[%get3A_552, %get3A_553] {strides = array<i32>} : memref<400x128xf32, #tpu.memory_space<vmem>>, vector<16xf32>,
        %get3A_555 = arith.index_cast %add3A_517 : i32 to index
        %get3A_556 = arith.constant 96 : index
        %get3A_557 = tpu.vector_load %arg7[%get3A_555, %get3A_556] {strides = array<i32>} : memref<400x128xf32, #tpu.memory_space<vmem>>, vector<16xf32>,
        %sub3A_558 = arith.subf %get3A_557, %get3A_554 : vector<16xf32>
        %mul3A_559 = vector.broadcast %squeeze3A_519 : f32 to vector<16xf32>
        %mul3A_560 = arith.mulf %mul3A_559, %sub3A_558 : vector<16xf32>
        %add3A_561 = arith.addf %get3A_554, %mul3A_560 : vector<16xf32>
        %mul3A_562 = arith.constant 8.000000e+00 : f32
        %mul3A_563 = vector.broadcast %mul3A_562 : f32 to vector<16xf32>
        %mul3A_564 = arith.mulf %add3A_561, %mul3A_563 : vector<16xf32>
        %swap3A_565 = arith.index_cast %add3A_517 : i32 to index
        %swap3A_566 = arith.constant 32 : index
        %swap3A_567 = tpu.vector_load %arg8[%swap3A_565, %swap3A_566] {strides = array<i32>} : memref<400x64xf32, #tpu.memory_space<vmem>>, vector<16xf32>,
        tpu.vector_store %arg8[%swap3A_565, %swap3A_566], %mul3A_564 {strides = array<i32>} : memref<400x64xf32, #tpu.memory_space<vmem>>, vector<16xf32>,
        %get3A_568 = arith.index_cast %add3A_517 : i32 to index
        %get3A_569 = arith.constant 48 : index
        %get3A_570 = tpu.vector_load %arg7[%get3A_568, %get3A_569] {strides = array<i32>} : memref<400x128xf32, #tpu.memory_space<vmem>>, vector<16xf32>,
        %get3A_571 = arith.index_cast %add3A_517 : i32 to index
        %get3A_572 = arith.constant 112 : index
        %get3A_573 = tpu.vector_load %arg7[%get3A_571, %get3A_572] {strides = array<i32>} : memref<400x128xf32, #tpu.memory_space<vmem>>, vector<16xf32>,
        %sub3A_574 = arith.subf %get3A_573, %get3A_570 : vector<16xf32>
        %mul3A_575 = vector.broadcast %squeeze3A_519 : f32 to vector<16xf32>
        %mul3A_576 = arith.mulf %mul3A_575, %sub3A_574 : vector<16xf32>
        %add3A_577 = arith.addf %get3A_570, %mul3A_576 : vector<16xf32>
        %mul3A_578 = arith.constant 8.000000e+00 : f32
        %mul3A_579 = vector.broadcast %mul3A_578 : f32 to vector<16xf32>
        %mul3A_580 = arith.mulf %add3A_577, %mul3A_579 : vector<16xf32>
        %swap3A_581 = arith.index_cast %add3A_517 : i32 to index
        %swap3A_582 = arith.constant 48 : index
        %swap3A_583 = tpu.vector_load %arg8[%swap3A_581, %swap3A_582] {strides = array<i32>} : memref<400x64xf32, #tpu.memory_space<vmem>>, vector<16xf32>,
        tpu.vector_store %arg8[%swap3A_581, %swap3A_582], %mul3A_580 {strides = array<i32>} : memref<400x64xf32, #tpu.memory_space<vmem>>, vector<16xf32>,
        %add3A_584 = arith.constant 8 : i32
        %add3A_585 = arith.addi %mul3A_38, %add3A_584 : i32
        %slice3A_586 = vector.extract_strided_slice %convert_element_type3A {offsets = [8], sizes = [1], strides = [1]} : vector<16xf32> to vector<1xf32>
        %squeeze3A_587 = vector.extract %slice3A_586[0] : f32 from vector<1xf32>
        %get3A_588 = arith.index_cast %add3A_585 : i32 to index
        %get3A_589 = arith.constant 0 : index
        %get3A_590 = tpu.vector_load %arg7[%get3A_588, %get3A_589] {strides = array<i32>} : memref<400x128xf32, #tpu.memory_space<vmem>>, vector<16xf32>,
        %get3A_591 = arith.index_cast %add3A_585 : i32 to index
        %get3A_592 = arith.constant 64 : index
        %get3A_593 = tpu.vector_load %arg7[%get3A_591, %get3A_592] {strides = array<i32>} : memref<400x128xf32, #tpu.memory_space<vmem>>, vector<16xf32>,
        %sub3A_594 = arith.subf %get3A_593, %get3A_590 : vector<16xf32>
        %mul3A_595 = vector.broadcast %squeeze3A_587 : f32 to vector<16xf32>
        %mul3A_596 = arith.mulf %mul3A_595, %sub3A_594 : vector<16xf32>
        %add3A_597 = arith.addf %get3A_590, %mul3A_596 : vector<16xf32>
        %mul3A_598 = arith.constant 8.000000e+00 : f32
        %mul3A_599 = vector.broadcast %mul3A_598 : f32 to vector<16xf32>
        %mul3A_600 = arith.mulf %add3A_597, %mul3A_599 : vector<16xf32>
        %swap3A_601 = arith.index_cast %add3A_585 : i32 to index
        %swap3A_602 = arith.constant 0 : index
        %swap3A_603 = tpu.vector_load %arg8[%swap3A_601, %swap3A_602] {strides = array<i32>} : memref<400x64xf32, #tpu.memory_space<vmem>>, vector<16xf32>,
        tpu.vector_store %arg8[%swap3A_601, %swap3A_602], %mul3A_600 {strides = array<i32>} : memref<400x64xf32, #tpu.memory_space<vmem>>, vector<16xf32>,
        %get3A_604 = arith.index_cast %add3A_585 : i32 to index
        %get3A_605 = arith.constant 16 : index
        %get3A_606 = tpu.vector_load %arg7[%get3A_604, %get3A_605] {strides = array<i32>} : memref<400x128xf32, #tpu.memory_space<vmem>>, vector<16xf32>,
        %get3A_607 = arith.index_cast %add3A_585 : i32 to index
        %get3A_608 = arith.constant 80 : index
        %get3A_609 = tpu.vector_load %arg7[%get3A_607, %get3A_608] {strides = array<i32>} : memref<400x128xf32, #tpu.memory_space<vmem>>, vector<16xf32>,
        %sub3A_610 = arith.subf %get3A_609, %get3A_606 : vector<16xf32>
        %mul3A_611 = vector.broadcast %squeeze3A_587 : f32 to vector<16xf32>
        %mul3A_612 = arith.mulf %mul3A_611, %sub3A_610 : vector<16xf32>
        %add3A_613 = arith.addf %get3A_606, %mul3A_612 : vector<16xf32>
        %mul3A_614 = arith.constant 8.000000e+00 : f32
        %mul3A_615 = vector.broadcast %mul3A_614 : f32 to vector<16xf32>
        %mul3A_616 = arith.mulf %add3A_613, %mul3A_615 : vector<16xf32>
        %swap3A_617 = arith.index_cast %add3A_585 : i32 to index
        %swap3A_618 = arith.constant 16 : index
        %swap3A_619 = tpu.vector_load %arg8[%swap3A_617, %swap3A_618] {strides = array<i32>} : memref<400x64xf32, #tpu.memory_space<vmem>>, vector<16xf32>,
        tpu.vector_store %arg8[%swap3A_617, %swap3A_618], %mul3A_616 {strides = array<i32>} : memref<400x64xf32, #tpu.memory_space<vmem>>, vector<16xf32>,
        %get3A_620 = arith.index_cast %add3A_585 : i32 to index
        %get3A_621 = arith.constant 32 : index
        %get3A_622 = tpu.vector_load %arg7[%get3A_620, %get3A_621] {strides = array<i32>} : memref<400x128xf32, #tpu.memory_space<vmem>>, vector<16xf32>,
        %get3A_623 = arith.index_cast %add3A_585 : i32 to index
        %get3A_624 = arith.constant 96 : index
        %get3A_625 = tpu.vector_load %arg7[%get3A_623, %get3A_624] {strides = array<i32>} : memref<400x128xf32, #tpu.memory_space<vmem>>, vector<16xf32>,
        %sub3A_626 = arith.subf %get3A_625, %get3A_622 : vector<16xf32>
        %mul3A_627 = vector.broadcast %squeeze3A_587 : f32 to vector<16xf32>
        %mul3A_628 = arith.mulf %mul3A_627, %sub3A_626 : vector<16xf32>
        %add3A_629 = arith.addf %get3A_622, %mul3A_628 : vector<16xf32>
        %mul3A_630 = arith.constant 8.000000e+00 : f32
        %mul3A_631 = vector.broadcast %mul3A_630 : f32 to vector<16xf32>
        %mul3A_632 = arith.mulf %add3A_629, %mul3A_631 : vector<16xf32>
        %swap3A_633 = arith.index_cast %add3A_585 : i32 to index
        %swap3A_634 = arith.constant 32 : index
        %swap3A_635 = tpu.vector_load %arg8[%swap3A_633, %swap3A_634] {strides = array<i32>} : memref<400x64xf32, #tpu.memory_space<vmem>>, vector<16xf32>,
        tpu.vector_store %arg8[%swap3A_633, %swap3A_634], %mul3A_632 {strides = array<i32>} : memref<400x64xf32, #tpu.memory_space<vmem>>, vector<16xf32>,
        %get3A_636 = arith.index_cast %add3A_585 : i32 to index
        %get3A_637 = arith.constant 48 : index
        %get3A_638 = tpu.vector_load %arg7[%get3A_636, %get3A_637] {strides = array<i32>} : memref<400x128xf32, #tpu.memory_space<vmem>>, vector<16xf32>,
        %get3A_639 = arith.index_cast %add3A_585 : i32 to index
        %get3A_640 = arith.constant 112 : index
        %get3A_641 = tpu.vector_load %arg7[%get3A_639, %get3A_640] {strides = array<i32>} : memref<400x128xf32, #tpu.memory_space<vmem>>, vector<16xf32>,
        %sub3A_642 = arith.subf %get3A_641, %get3A_638 : vector<16xf32>
        %mul3A_643 = vector.broadcast %squeeze3A_587 : f32 to vector<16xf32>
        %mul3A_644 = arith.mulf %mul3A_643, %sub3A_642 : vector<16xf32>
        %add3A_645 = arith.addf %get3A_638, %mul3A_644 : vector<16xf32>
        %mul3A_646 = arith.constant 8.000000e+00 : f32
        %mul3A_647 = vector.broadcast %mul3A_646 : f32 to vector<16xf32>
        %mul3A_648 = arith.mulf %add3A_645, %mul3A_647 : vector<16xf32>
        %swap3A_649 = arith.index_cast %add3A_585 : i32 to index
        %swap3A_650 = arith.constant 48 : index
        %swap3A_651 = tpu.vector_load %arg8[%swap3A_649, %swap3A_650] {strides = array<i32>} : memref<400x64xf32, #tpu.memory_space<vmem>>, vector<16xf32>,
        tpu.vector_store %arg8[%swap3A_649, %swap3A_650], %mul3A_648 {strides = array<i32>} : memref<400x64xf32, #tpu.memory_space<vmem>>, vector<16xf32>,
        %add3A_652 = arith.constant 9 : i32
        %add3A_653 = arith.addi %mul3A_38, %add3A_652 : i32
        %slice3A_654 = vector.extract_strided_slice %convert_element_type3A {offsets = [9], sizes = [1], strides = [1]} : vector<16xf32> to vector<1xf32>
        %squeeze3A_655 = vector.extract %slice3A_654[0] : f32 from vector<1xf32>
        %get3A_656 = arith.index_cast %add3A_653 : i32 to index
        %get3A_657 = arith.constant 0 : index
        %get3A_658 = tpu.vector_load %arg7[%get3A_656, %get3A_657] {strides = array<i32>} : memref<400x128xf32, #tpu.memory_space<vmem>>, vector<16xf32>,
        %get3A_659 = arith.index_cast %add3A_653 : i32 to index
        %get3A_660 = arith.constant 64 : index
        %get3A_661 = tpu.vector_load %arg7[%get3A_659, %get3A_660] {strides = array<i32>} : memref<400x128xf32, #tpu.memory_space<vmem>>, vector<16xf32>,
        %sub3A_662 = arith.subf %get3A_661, %get3A_658 : vector<16xf32>
        %mul3A_663 = vector.broadcast %squeeze3A_655 : f32 to vector<16xf32>
        %mul3A_664 = arith.mulf %mul3A_663, %sub3A_662 : vector<16xf32>
        %add3A_665 = arith.addf %get3A_658, %mul3A_664 : vector<16xf32>
        %mul3A_666 = arith.constant 8.000000e+00 : f32
        %mul3A_667 = vector.broadcast %mul3A_666 : f32 to vector<16xf32>
        %mul3A_668 = arith.mulf %add3A_665, %mul3A_667 : vector<16xf32>
        %swap3A_669 = arith.index_cast %add3A_653 : i32 to index
        %swap3A_670 = arith.constant 0 : index
        %swap3A_671 = tpu.vector_load %arg8[%swap3A_669, %swap3A_670] {strides = array<i32>} : memref<400x64xf32, #tpu.memory_space<vmem>>, vector<16xf32>,
        tpu.vector_store %arg8[%swap3A_669, %swap3A_670], %mul3A_668 {strides = array<i32>} : memref<400x64xf32, #tpu.memory_space<vmem>>, vector<16xf32>,
        %get3A_672 = arith.index_cast %add3A_653 : i32 to index
        %get3A_673 = arith.constant 16 : index
        %get3A_674 = tpu.vector_load %arg7[%get3A_672, %get3A_673] {strides = array<i32>} : memref<400x128xf32, #tpu.memory_space<vmem>>, vector<16xf32>,
        %get3A_675 = arith.index_cast %add3A_653 : i32 to index
        %get3A_676 = arith.constant 80 : index
        %get3A_677 = tpu.vector_load %arg7[%get3A_675, %get3A_676] {strides = array<i32>} : memref<400x128xf32, #tpu.memory_space<vmem>>, vector<16xf32>,
        %sub3A_678 = arith.subf %get3A_677, %get3A_674 : vector<16xf32>
        %mul3A_679 = vector.broadcast %squeeze3A_655 : f32 to vector<16xf32>
        %mul3A_680 = arith.mulf %mul3A_679, %sub3A_678 : vector<16xf32>
        %add3A_681 = arith.addf %get3A_674, %mul3A_680 : vector<16xf32>
        %mul3A_682 = arith.constant 8.000000e+00 : f32
        %mul3A_683 = vector.broadcast %mul3A_682 : f32 to vector<16xf32>
        %mul3A_684 = arith.mulf %add3A_681, %mul3A_683 : vector<16xf32>
        %swap3A_685 = arith.index_cast %add3A_653 : i32 to index
        %swap3A_686 = arith.constant 16 : index
        %swap3A_687 = tpu.vector_load %arg8[%swap3A_685, %swap3A_686] {strides = array<i32>} : memref<400x64xf32, #tpu.memory_space<vmem>>, vector<16xf32>,
        tpu.vector_store %arg8[%swap3A_685, %swap3A_686], %mul3A_684 {strides = array<i32>} : memref<400x64xf32, #tpu.memory_space<vmem>>, vector<16xf32>,
        %get3A_688 = arith.index_cast %add3A_653 : i32 to index
        %get3A_689 = arith.constant 32 : index
        %get3A_690 = tpu.vector_load %arg7[%get3A_688, %get3A_689] {strides = array<i32>} : memref<400x128xf32, #tpu.memory_space<vmem>>, vector<16xf32>,
        %get3A_691 = arith.index_cast %add3A_653 : i32 to index
        %get3A_692 = arith.constant 96 : index
        %get3A_693 = tpu.vector_load %arg7[%get3A_691, %get3A_692] {strides = array<i32>} : memref<400x128xf32, #tpu.memory_space<vmem>>, vector<16xf32>,
        %sub3A_694 = arith.subf %get3A_693, %get3A_690 : vector<16xf32>
        %mul3A_695 = vector.broadcast %squeeze3A_655 : f32 to vector<16xf32>
        %mul3A_696 = arith.mulf %mul3A_695, %sub3A_694 : vector<16xf32>
        %add3A_697 = arith.addf %get3A_690, %mul3A_696 : vector<16xf32>
        %mul3A_698 = arith.constant 8.000000e+00 : f32
        %mul3A_699 = vector.broadcast %mul3A_698 : f32 to vector<16xf32>
        %mul3A_700 = arith.mulf %add3A_697, %mul3A_699 : vector<16xf32>
        %swap3A_701 = arith.index_cast %add3A_653 : i32 to index
        %swap3A_702 = arith.constant 32 : index
        %swap3A_703 = tpu.vector_load %arg8[%swap3A_701, %swap3A_702] {strides = array<i32>} : memref<400x64xf32, #tpu.memory_space<vmem>>, vector<16xf32>,
        tpu.vector_store %arg8[%swap3A_701, %swap3A_702], %mul3A_700 {strides = array<i32>} : memref<400x64xf32, #tpu.memory_space<vmem>>, vector<16xf32>,
        %get3A_704 = arith.index_cast %add3A_653 : i32 to index
        %get3A_705 = arith.constant 48 : index
        %get3A_706 = tpu.vector_load %arg7[%get3A_704, %get3A_705] {strides = array<i32>} : memref<400x128xf32, #tpu.memory_space<vmem>>, vector<16xf32>,
        %get3A_707 = arith.index_cast %add3A_653 : i32 to index
        %get3A_708 = arith.constant 112 : index
        %get3A_709 = tpu.vector_load %arg7[%get3A_707, %get3A_708] {strides = array<i32>} : memref<400x128xf32, #tpu.memory_space<vmem>>, vector<16xf32>,
        %sub3A_710 = arith.subf %get3A_709, %get3A_706 : vector<16xf32>
        %mul3A_711 = vector.broadcast %squeeze3A_655 : f32 to vector<16xf32>
        %mul3A_712 = arith.mulf %mul3A_711, %sub3A_710 : vector<16xf32>
        %add3A_713 = arith.addf %get3A_706, %mul3A_712 : vector<16xf32>
        %mul3A_714 = arith.constant 8.000000e+00 : f32
        %mul3A_715 = vector.broadcast %mul3A_714 : f32 to vector<16xf32>
        %mul3A_716 = arith.mulf %add3A_713, %mul3A_715 : vector<16xf32>
        %swap3A_717 = arith.index_cast %add3A_653 : i32 to index
        %swap3A_718 = arith.constant 48 : index
        %swap3A_719 = tpu.vector_load %arg8[%swap3A_717, %swap3A_718] {strides = array<i32>} : memref<400x64xf32, #tpu.memory_space<vmem>>, vector<16xf32>,
        tpu.vector_store %arg8[%swap3A_717, %swap3A_718], %mul3A_716 {strides = array<i32>} : memref<400x64xf32, #tpu.memory_space<vmem>>, vector<16xf32>,
        %add3A_720 = arith.constant 10 : i32
        %add3A_721 = arith.addi %mul3A_38, %add3A_720 : i32
        %slice3A_722 = vector.extract_strided_slice %convert_element_type3A {offsets = [10], sizes = [1], strides = [1]} : vector<16xf32> to vector<1xf32>
        %squeeze3A_723 = vector.extract %slice3A_722[0] : f32 from vector<1xf32>
        %get3A_724 = arith.index_cast %add3A_721 : i32 to index
        %get3A_725 = arith.constant 0 : index
        %get3A_726 = tpu.vector_load %arg7[%get3A_724, %get3A_725] {strides = array<i32>} : memref<400x128xf32, #tpu.memory_space<vmem>>, vector<16xf32>,
        %get3A_727 = arith.index_cast %add3A_721 : i32 to index
        %get3A_728 = arith.constant 64 : index
        %get3A_729 = tpu.vector_load %arg7[%get3A_727, %get3A_728] {strides = array<i32>} : memref<400x128xf32, #tpu.memory_space<vmem>>, vector<16xf32>,
        %sub3A_730 = arith.subf %get3A_729, %get3A_726 : vector<16xf32>
        %mul3A_731 = vector.broadcast %squeeze3A_723 : f32 to vector<16xf32>
        %mul3A_732 = arith.mulf %mul3A_731, %sub3A_730 : vector<16xf32>
        %add3A_733 = arith.addf %get3A_726, %mul3A_732 : vector<16xf32>
        %mul3A_734 = arith.constant 8.000000e+00 : f32
        %mul3A_735 = vector.broadcast %mul3A_734 : f32 to vector<16xf32>
        %mul3A_736 = arith.mulf %add3A_733, %mul3A_735 : vector<16xf32>
        %swap3A_737 = arith.index_cast %add3A_721 : i32 to index
        %swap3A_738 = arith.constant 0 : index
        %swap3A_739 = tpu.vector_load %arg8[%swap3A_737, %swap3A_738] {strides = array<i32>} : memref<400x64xf32, #tpu.memory_space<vmem>>, vector<16xf32>,
        tpu.vector_store %arg8[%swap3A_737, %swap3A_738], %mul3A_736 {strides = array<i32>} : memref<400x64xf32, #tpu.memory_space<vmem>>, vector<16xf32>,
        %get3A_740 = arith.index_cast %add3A_721 : i32 to index
        %get3A_741 = arith.constant 16 : index
        %get3A_742 = tpu.vector_load %arg7[%get3A_740, %get3A_741] {strides = array<i32>} : memref<400x128xf32, #tpu.memory_space<vmem>>, vector<16xf32>,
        %get3A_743 = arith.index_cast %add3A_721 : i32 to index
        %get3A_744 = arith.constant 80 : index
        %get3A_745 = tpu.vector_load %arg7[%get3A_743, %get3A_744] {strides = array<i32>} : memref<400x128xf32, #tpu.memory_space<vmem>>, vector<16xf32>,
        %sub3A_746 = arith.subf %get3A_745, %get3A_742 : vector<16xf32>
        %mul3A_747 = vector.broadcast %squeeze3A_723 : f32 to vector<16xf32>
        %mul3A_748 = arith.mulf %mul3A_747, %sub3A_746 : vector<16xf32>
        %add3A_749 = arith.addf %get3A_742, %mul3A_748 : vector<16xf32>
        %mul3A_750 = arith.constant 8.000000e+00 : f32
        %mul3A_751 = vector.broadcast %mul3A_750 : f32 to vector<16xf32>
        %mul3A_752 = arith.mulf %add3A_749, %mul3A_751 : vector<16xf32>
        %swap3A_753 = arith.index_cast %add3A_721 : i32 to index
        %swap3A_754 = arith.constant 16 : index
        %swap3A_755 = tpu.vector_load %arg8[%swap3A_753, %swap3A_754] {strides = array<i32>} : memref<400x64xf32, #tpu.memory_space<vmem>>, vector<16xf32>,
        tpu.vector_store %arg8[%swap3A_753, %swap3A_754], %mul3A_752 {strides = array<i32>} : memref<400x64xf32, #tpu.memory_space<vmem>>, vector<16xf32>,
        %get3A_756 = arith.index_cast %add3A_721 : i32 to index
        %get3A_757 = arith.constant 32 : index
        %get3A_758 = tpu.vector_load %arg7[%get3A_756, %get3A_757] {strides = array<i32>} : memref<400x128xf32, #tpu.memory_space<vmem>>, vector<16xf32>,
        %get3A_759 = arith.index_cast %add3A_721 : i32 to index
        %get3A_760 = arith.constant 96 : index
        %get3A_761 = tpu.vector_load %arg7[%get3A_759, %get3A_760] {strides = array<i32>} : memref<400x128xf32, #tpu.memory_space<vmem>>, vector<16xf32>,
        %sub3A_762 = arith.subf %get3A_761, %get3A_758 : vector<16xf32>
        %mul3A_763 = vector.broadcast %squeeze3A_723 : f32 to vector<16xf32>
        %mul3A_764 = arith.mulf %mul3A_763, %sub3A_762 : vector<16xf32>
        %add3A_765 = arith.addf %get3A_758, %mul3A_764 : vector<16xf32>
        %mul3A_766 = arith.constant 8.000000e+00 : f32
        %mul3A_767 = vector.broadcast %mul3A_766 : f32 to vector<16xf32>
        %mul3A_768 = arith.mulf %add3A_765, %mul3A_767 : vector<16xf32>
        %swap3A_769 = arith.index_cast %add3A_721 : i32 to index
        %swap3A_770 = arith.constant 32 : index
        %swap3A_771 = tpu.vector_load %arg8[%swap3A_769, %swap3A_770] {strides = array<i32>} : memref<400x64xf32, #tpu.memory_space<vmem>>, vector<16xf32>,
        tpu.vector_store %arg8[%swap3A_769, %swap3A_770], %mul3A_768 {strides = array<i32>} : memref<400x64xf32, #tpu.memory_space<vmem>>, vector<16xf32>,
        %get3A_772 = arith.index_cast %add3A_721 : i32 to index
        %get3A_773 = arith.constant 48 : index
        %get3A_774 = tpu.vector_load %arg7[%get3A_772, %get3A_773] {strides = array<i32>} : memref<400x128xf32, #tpu.memory_space<vmem>>, vector<16xf32>,
        %get3A_775 = arith.index_cast %add3A_721 : i32 to index
        %get3A_776 = arith.constant 112 : index
        %get3A_777 = tpu.vector_load %arg7[%get3A_775, %get3A_776] {strides = array<i32>} : memref<400x128xf32, #tpu.memory_space<vmem>>, vector<16xf32>,
        %sub3A_778 = arith.subf %get3A_777, %get3A_774 : vector<16xf32>
        %mul3A_779 = vector.broadcast %squeeze3A_723 : f32 to vector<16xf32>
        %mul3A_780 = arith.mulf %mul3A_779, %sub3A_778 : vector<16xf32>
        %add3A_781 = arith.addf %get3A_774, %mul3A_780 : vector<16xf32>
        %mul3A_782 = arith.constant 8.000000e+00 : f32
        %mul3A_783 = vector.broadcast %mul3A_782 : f32 to vector<16xf32>
        %mul3A_784 = arith.mulf %add3A_781, %mul3A_783 : vector<16xf32>
        %swap3A_785 = arith.index_cast %add3A_721 : i32 to index
        %swap3A_786 = arith.constant 48 : index
        %swap3A_787 = tpu.vector_load %arg8[%swap3A_785, %swap3A_786] {strides = array<i32>} : memref<400x64xf32, #tpu.memory_space<vmem>>, vector<16xf32>,
        tpu.vector_store %arg8[%swap3A_785, %swap3A_786], %mul3A_784 {strides = array<i32>} : memref<400x64xf32, #tpu.memory_space<vmem>>, vector<16xf32>,
        %add3A_788 = arith.constant 11 : i32
        %add3A_789 = arith.addi %mul3A_38, %add3A_788 : i32
        %slice3A_790 = vector.extract_strided_slice %convert_element_type3A {offsets = [11], sizes = [1], strides = [1]} : vector<16xf32> to vector<1xf32>
        %squeeze3A_791 = vector.extract %slice3A_790[0] : f32 from vector<1xf32>
        %get3A_792 = arith.index_cast %add3A_789 : i32 to index
        %get3A_793 = arith.constant 0 : index
        %get3A_794 = tpu.vector_load %arg7[%get3A_792, %get3A_793] {strides = array<i32>} : memref<400x128xf32, #tpu.memory_space<vmem>>, vector<16xf32>,
        %get3A_795 = arith.index_cast %add3A_789 : i32 to index
        %get3A_796 = arith.constant 64 : index
        %get3A_797 = tpu.vector_load %arg7[%get3A_795, %get3A_796] {strides = array<i32>} : memref<400x128xf32, #tpu.memory_space<vmem>>, vector<16xf32>,
        %sub3A_798 = arith.subf %get3A_797, %get3A_794 : vector<16xf32>
        %mul3A_799 = vector.broadcast %squeeze3A_791 : f32 to vector<16xf32>
        %mul3A_800 = arith.mulf %mul3A_799, %sub3A_798 : vector<16xf32>
        %add3A_801 = arith.addf %get3A_794, %mul3A_800 : vector<16xf32>
        %mul3A_802 = arith.constant 8.000000e+00 : f32
        %mul3A_803 = vector.broadcast %mul3A_802 : f32 to vector<16xf32>
        %mul3A_804 = arith.mulf %add3A_801, %mul3A_803 : vector<16xf32>
        %swap3A_805 = arith.index_cast %add3A_789 : i32 to index
        %swap3A_806 = arith.constant 0 : index
        %swap3A_807 = tpu.vector_load %arg8[%swap3A_805, %swap3A_806] {strides = array<i32>} : memref<400x64xf32, #tpu.memory_space<vmem>>, vector<16xf32>,
        tpu.vector_store %arg8[%swap3A_805, %swap3A_806], %mul3A_804 {strides = array<i32>} : memref<400x64xf32, #tpu.memory_space<vmem>>, vector<16xf32>,
        %get3A_808 = arith.index_cast %add3A_789 : i32 to index
        %get3A_809 = arith.constant 16 : index
        %get3A_810 = tpu.vector_load %arg7[%get3A_808, %get3A_809] {strides = array<i32>} : memref<400x128xf32, #tpu.memory_space<vmem>>, vector<16xf32>,
        %get3A_811 = arith.index_cast %add3A_789 : i32 to index
        %get3A_812 = arith.constant 80 : index
        %get3A_813 = tpu.vector_load %arg7[%get3A_811, %get3A_812] {strides = array<i32>} : memref<400x128xf32, #tpu.memory_space<vmem>>, vector<16xf32>,
        %sub3A_814 = arith.subf %get3A_813, %get3A_810 : vector<16xf32>
        %mul3A_815 = vector.broadcast %squeeze3A_791 : f32 to vector<16xf32>
        %mul3A_816 = arith.mulf %mul3A_815, %sub3A_814 : vector<16xf32>
        %add3A_817 = arith.addf %get3A_810, %mul3A_816 : vector<16xf32>
        %mul3A_818 = arith.constant 8.000000e+00 : f32
        %mul3A_819 = vector.broadcast %mul3A_818 : f32 to vector<16xf32>
        %mul3A_820 = arith.mulf %add3A_817, %mul3A_819 : vector<16xf32>
        %swap3A_821 = arith.index_cast %add3A_789 : i32 to index
        %swap3A_822 = arith.constant 16 : index
        %swap3A_823 = tpu.vector_load %arg8[%swap3A_821, %swap3A_822] {strides = array<i32>} : memref<400x64xf32, #tpu.memory_space<vmem>>, vector<16xf32>,
        tpu.vector_store %arg8[%swap3A_821, %swap3A_822], %mul3A_820 {strides = array<i32>} : memref<400x64xf32, #tpu.memory_space<vmem>>, vector<16xf32>,
        %get3A_824 = arith.index_cast %add3A_789 : i32 to index
        %get3A_825 = arith.constant 32 : index
        %get3A_826 = tpu.vector_load %arg7[%get3A_824, %get3A_825] {strides = array<i32>} : memref<400x128xf32, #tpu.memory_space<vmem>>, vector<16xf32>,
        %get3A_827 = arith.index_cast %add3A_789 : i32 to index
        %get3A_828 = arith.constant 96 : index
        %get3A_829 = tpu.vector_load %arg7[%get3A_827, %get3A_828] {strides = array<i32>} : memref<400x128xf32, #tpu.memory_space<vmem>>, vector<16xf32>,
        %sub3A_830 = arith.subf %get3A_829, %get3A_826 : vector<16xf32>
        %mul3A_831 = vector.broadcast %squeeze3A_791 : f32 to vector<16xf32>
        %mul3A_832 = arith.mulf %mul3A_831, %sub3A_830 : vector<16xf32>
        %add3A_833 = arith.addf %get3A_826, %mul3A_832 : vector<16xf32>
        %mul3A_834 = arith.constant 8.000000e+00 : f32
        %mul3A_835 = vector.broadcast %mul3A_834 : f32 to vector<16xf32>
        %mul3A_836 = arith.mulf %add3A_833, %mul3A_835 : vector<16xf32>
        %swap3A_837 = arith.index_cast %add3A_789 : i32 to index
        %swap3A_838 = arith.constant 32 : index
        %swap3A_839 = tpu.vector_load %arg8[%swap3A_837, %swap3A_838] {strides = array<i32>} : memref<400x64xf32, #tpu.memory_space<vmem>>, vector<16xf32>,
        tpu.vector_store %arg8[%swap3A_837, %swap3A_838], %mul3A_836 {strides = array<i32>} : memref<400x64xf32, #tpu.memory_space<vmem>>, vector<16xf32>,
        %get3A_840 = arith.index_cast %add3A_789 : i32 to index
        %get3A_841 = arith.constant 48 : index
        %get3A_842 = tpu.vector_load %arg7[%get3A_840, %get3A_841] {strides = array<i32>} : memref<400x128xf32, #tpu.memory_space<vmem>>, vector<16xf32>,
        %get3A_843 = arith.index_cast %add3A_789 : i32 to index
        %get3A_844 = arith.constant 112 : index
        %get3A_845 = tpu.vector_load %arg7[%get3A_843, %get3A_844] {strides = array<i32>} : memref<400x128xf32, #tpu.memory_space<vmem>>, vector<16xf32>,
        %sub3A_846 = arith.subf %get3A_845, %get3A_842 : vector<16xf32>
        %mul3A_847 = vector.broadcast %squeeze3A_791 : f32 to vector<16xf32>
        %mul3A_848 = arith.mulf %mul3A_847, %sub3A_846 : vector<16xf32>
        %add3A_849 = arith.addf %get3A_842, %mul3A_848 : vector<16xf32>
        %mul3A_850 = arith.constant 8.000000e+00 : f32
        %mul3A_851 = vector.broadcast %mul3A_850 : f32 to vector<16xf32>
        %mul3A_852 = arith.mulf %add3A_849, %mul3A_851 : vector<16xf32>
        %swap3A_853 = arith.index_cast %add3A_789 : i32 to index
        %swap3A_854 = arith.constant 48 : index
        %swap3A_855 = tpu.vector_load %arg8[%swap3A_853, %swap3A_854] {strides = array<i32>} : memref<400x64xf32, #tpu.memory_space<vmem>>, vector<16xf32>,
        tpu.vector_store %arg8[%swap3A_853, %swap3A_854], %mul3A_852 {strides = array<i32>} : memref<400x64xf32, #tpu.memory_space<vmem>>, vector<16xf32>,
        %add3A_856 = arith.constant 12 : i32
        %add3A_857 = arith.addi %mul3A_38, %add3A_856 : i32
        %slice3A_858 = vector.extract_strided_slice %convert_element_type3A {offsets = [12], sizes = [1], strides = [1]} : vector<16xf32> to vector<1xf32>
        %squeeze3A_859 = vector.extract %slice3A_858[0] : f32 from vector<1xf32>
        %get3A_860 = arith.index_cast %add3A_857 : i32 to index
        %get3A_861 = arith.constant 0 : index
        %get3A_862 = tpu.vector_load %arg7[%get3A_860, %get3A_861] {strides = array<i32>} : memref<400x128xf32, #tpu.memory_space<vmem>>, vector<16xf32>,
        %get3A_863 = arith.index_cast %add3A_857 : i32 to index
        %get3A_864 = arith.constant 64 : index
        %get3A_865 = tpu.vector_load %arg7[%get3A_863, %get3A_864] {strides = array<i32>} : memref<400x128xf32, #tpu.memory_space<vmem>>, vector<16xf32>,
        %sub3A_866 = arith.subf %get3A_865, %get3A_862 : vector<16xf32>
        %mul3A_867 = vector.broadcast %squeeze3A_859 : f32 to vector<16xf32>
        %mul3A_868 = arith.mulf %mul3A_867, %sub3A_866 : vector<16xf32>
        %add3A_869 = arith.addf %get3A_862, %mul3A_868 : vector<16xf32>
        %mul3A_870 = arith.constant 8.000000e+00 : f32
        %mul3A_871 = vector.broadcast %mul3A_870 : f32 to vector<16xf32>
        %mul3A_872 = arith.mulf %add3A_869, %mul3A_871 : vector<16xf32>
        %swap3A_873 = arith.index_cast %add3A_857 : i32 to index
        %swap3A_874 = arith.constant 0 : index
        %swap3A_875 = tpu.vector_load %arg8[%swap3A_873, %swap3A_874] {strides = array<i32>} : memref<400x64xf32, #tpu.memory_space<vmem>>, vector<16xf32>,
        tpu.vector_store %arg8[%swap3A_873, %swap3A_874], %mul3A_872 {strides = array<i32>} : memref<400x64xf32, #tpu.memory_space<vmem>>, vector<16xf32>,
        %get3A_876 = arith.index_cast %add3A_857 : i32 to index
        %get3A_877 = arith.constant 16 : index
        %get3A_878 = tpu.vector_load %arg7[%get3A_876, %get3A_877] {strides = array<i32>} : memref<400x128xf32, #tpu.memory_space<vmem>>, vector<16xf32>,
        %get3A_879 = arith.index_cast %add3A_857 : i32 to index
        %get3A_880 = arith.constant 80 : index
        %get3A_881 = tpu.vector_load %arg7[%get3A_879, %get3A_880] {strides = array<i32>} : memref<400x128xf32, #tpu.memory_space<vmem>>, vector<16xf32>,
        %sub3A_882 = arith.subf %get3A_881, %get3A_878 : vector<16xf32>
        %mul3A_883 = vector.broadcast %squeeze3A_859 : f32 to vector<16xf32>
        %mul3A_884 = arith.mulf %mul3A_883, %sub3A_882 : vector<16xf32>
        %add3A_885 = arith.addf %get3A_878, %mul3A_884 : vector<16xf32>
        %mul3A_886 = arith.constant 8.000000e+00 : f32
        %mul3A_887 = vector.broadcast %mul3A_886 : f32 to vector<16xf32>
        %mul3A_888 = arith.mulf %add3A_885, %mul3A_887 : vector<16xf32>
        %swap3A_889 = arith.index_cast %add3A_857 : i32 to index
        %swap3A_890 = arith.constant 16 : index
        %swap3A_891 = tpu.vector_load %arg8[%swap3A_889, %swap3A_890] {strides = array<i32>} : memref<400x64xf32, #tpu.memory_space<vmem>>, vector<16xf32>,
        tpu.vector_store %arg8[%swap3A_889, %swap3A_890], %mul3A_888 {strides = array<i32>} : memref<400x64xf32, #tpu.memory_space<vmem>>, vector<16xf32>,
        %get3A_892 = arith.index_cast %add3A_857 : i32 to index
        %get3A_893 = arith.constant 32 : index
        %get3A_894 = tpu.vector_load %arg7[%get3A_892, %get3A_893] {strides = array<i32>} : memref<400x128xf32, #tpu.memory_space<vmem>>, vector<16xf32>,
        %get3A_895 = arith.index_cast %add3A_857 : i32 to index
        %get3A_896 = arith.constant 96 : index
        %get3A_897 = tpu.vector_load %arg7[%get3A_895, %get3A_896] {strides = array<i32>} : memref<400x128xf32, #tpu.memory_space<vmem>>, vector<16xf32>,
        %sub3A_898 = arith.subf %get3A_897, %get3A_894 : vector<16xf32>
        %mul3A_899 = vector.broadcast %squeeze3A_859 : f32 to vector<16xf32>
        %mul3A_900 = arith.mulf %mul3A_899, %sub3A_898 : vector<16xf32>
        %add3A_901 = arith.addf %get3A_894, %mul3A_900 : vector<16xf32>
        %mul3A_902 = arith.constant 8.000000e+00 : f32
        %mul3A_903 = vector.broadcast %mul3A_902 : f32 to vector<16xf32>
        %mul3A_904 = arith.mulf %add3A_901, %mul3A_903 : vector<16xf32>
        %swap3A_905 = arith.index_cast %add3A_857 : i32 to index
        %swap3A_906 = arith.constant 32 : index
        %swap3A_907 = tpu.vector_load %arg8[%swap3A_905, %swap3A_906] {strides = array<i32>} : memref<400x64xf32, #tpu.memory_space<vmem>>, vector<16xf32>,
        tpu.vector_store %arg8[%swap3A_905, %swap3A_906], %mul3A_904 {strides = array<i32>} : memref<400x64xf32, #tpu.memory_space<vmem>>, vector<16xf32>,
        %get3A_908 = arith.index_cast %add3A_857 : i32 to index
        %get3A_909 = arith.constant 48 : index
        %get3A_910 = tpu.vector_load %arg7[%get3A_908, %get3A_909] {strides = array<i32>} : memref<400x128xf32, #tpu.memory_space<vmem>>, vector<16xf32>,
        %get3A_911 = arith.index_cast %add3A_857 : i32 to index
        %get3A_912 = arith.constant 112 : index
        %get3A_913 = tpu.vector_load %arg7[%get3A_911, %get3A_912] {strides = array<i32>} : memref<400x128xf32, #tpu.memory_space<vmem>>, vector<16xf32>,
        %sub3A_914 = arith.subf %get3A_913, %get3A_910 : vector<16xf32>
        %mul3A_915 = vector.broadcast %squeeze3A_859 : f32 to vector<16xf32>
        %mul3A_916 = arith.mulf %mul3A_915, %sub3A_914 : vector<16xf32>
        %add3A_917 = arith.addf %get3A_910, %mul3A_916 : vector<16xf32>
        %mul3A_918 = arith.constant 8.000000e+00 : f32
        %mul3A_919 = vector.broadcast %mul3A_918 : f32 to vector<16xf32>
        %mul3A_920 = arith.mulf %add3A_917, %mul3A_919 : vector<16xf32>
        %swap3A_921 = arith.index_cast %add3A_857 : i32 to index
        %swap3A_922 = arith.constant 48 : index
        %swap3A_923 = tpu.vector_load %arg8[%swap3A_921, %swap3A_922] {strides = array<i32>} : memref<400x64xf32, #tpu.memory_space<vmem>>, vector<16xf32>,
        tpu.vector_store %arg8[%swap3A_921, %swap3A_922], %mul3A_920 {strides = array<i32>} : memref<400x64xf32, #tpu.memory_space<vmem>>, vector<16xf32>,
        %add3A_924 = arith.constant 13 : i32
        %add3A_925 = arith.addi %mul3A_38, %add3A_924 : i32
        %slice3A_926 = vector.extract_strided_slice %convert_element_type3A {offsets = [13], sizes = [1], strides = [1]} : vector<16xf32> to vector<1xf32>
        %squeeze3A_927 = vector.extract %slice3A_926[0] : f32 from vector<1xf32>
        %get3A_928 = arith.index_cast %add3A_925 : i32 to index
        %get3A_929 = arith.constant 0 : index
        %get3A_930 = tpu.vector_load %arg7[%get3A_928, %get3A_929] {strides = array<i32>} : memref<400x128xf32, #tpu.memory_space<vmem>>, vector<16xf32>,
        %get3A_931 = arith.index_cast %add3A_925 : i32 to index
        %get3A_932 = arith.constant 64 : index
        %get3A_933 = tpu.vector_load %arg7[%get3A_931, %get3A_932] {strides = array<i32>} : memref<400x128xf32, #tpu.memory_space<vmem>>, vector<16xf32>,
        %sub3A_934 = arith.subf %get3A_933, %get3A_930 : vector<16xf32>
        %mul3A_935 = vector.broadcast %squeeze3A_927 : f32 to vector<16xf32>
        %mul3A_936 = arith.mulf %mul3A_935, %sub3A_934 : vector<16xf32>
        %add3A_937 = arith.addf %get3A_930, %mul3A_936 : vector<16xf32>
        %mul3A_938 = arith.constant 8.000000e+00 : f32
        %mul3A_939 = vector.broadcast %mul3A_938 : f32 to vector<16xf32>
        %mul3A_940 = arith.mulf %add3A_937, %mul3A_939 : vector<16xf32>
        %swap3A_941 = arith.index_cast %add3A_925 : i32 to index
        %swap3A_942 = arith.constant 0 : index
        %swap3A_943 = tpu.vector_load %arg8[%swap3A_941, %swap3A_942] {strides = array<i32>} : memref<400x64xf32, #tpu.memory_space<vmem>>, vector<16xf32>,
        tpu.vector_store %arg8[%swap3A_941, %swap3A_942], %mul3A_940 {strides = array<i32>} : memref<400x64xf32, #tpu.memory_space<vmem>>, vector<16xf32>,
        %get3A_944 = arith.index_cast %add3A_925 : i32 to index
        %get3A_945 = arith.constant 16 : index
        %get3A_946 = tpu.vector_load %arg7[%get3A_944, %get3A_945] {strides = array<i32>} : memref<400x128xf32, #tpu.memory_space<vmem>>, vector<16xf32>,
        %get3A_947 = arith.index_cast %add3A_925 : i32 to index
        %get3A_948 = arith.constant 80 : index
        %get3A_949 = tpu.vector_load %arg7[%get3A_947, %get3A_948] {strides = array<i32>} : memref<400x128xf32, #tpu.memory_space<vmem>>, vector<16xf32>,
        %sub3A_950 = arith.subf %get3A_949, %get3A_946 : vector<16xf32>
        %mul3A_951 = vector.broadcast %squeeze3A_927 : f32 to vector<16xf32>
        %mul3A_952 = arith.mulf %mul3A_951, %sub3A_950 : vector<16xf32>
        %add3A_953 = arith.addf %get3A_946, %mul3A_952 : vector<16xf32>
        %mul3A_954 = arith.constant 8.000000e+00 : f32
        %mul3A_955 = vector.broadcast %mul3A_954 : f32 to vector<16xf32>
        %mul3A_956 = arith.mulf %add3A_953, %mul3A_955 : vector<16xf32>
        %swap3A_957 = arith.index_cast %add3A_925 : i32 to index
        %swap3A_958 = arith.constant 16 : index
        %swap3A_959 = tpu.vector_load %arg8[%swap3A_957, %swap3A_958] {strides = array<i32>} : memref<400x64xf32, #tpu.memory_space<vmem>>, vector<16xf32>,
        tpu.vector_store %arg8[%swap3A_957, %swap3A_958], %mul3A_956 {strides = array<i32>} : memref<400x64xf32, #tpu.memory_space<vmem>>, vector<16xf32>,
        %get3A_960 = arith.index_cast %add3A_925 : i32 to index
        %get3A_961 = arith.constant 32 : index
        %get3A_962 = tpu.vector_load %arg7[%get3A_960, %get3A_961] {strides = array<i32>} : memref<400x128xf32, #tpu.memory_space<vmem>>, vector<16xf32>,
        %get3A_963 = arith.index_cast %add3A_925 : i32 to index
        %get3A_964 = arith.constant 96 : index
        %get3A_965 = tpu.vector_load %arg7[%get3A_963, %get3A_964] {strides = array<i32>} : memref<400x128xf32, #tpu.memory_space<vmem>>, vector<16xf32>,
        %sub3A_966 = arith.subf %get3A_965, %get3A_962 : vector<16xf32>
        %mul3A_967 = vector.broadcast %squeeze3A_927 : f32 to vector<16xf32>
        %mul3A_968 = arith.mulf %mul3A_967, %sub3A_966 : vector<16xf32>
        %add3A_969 = arith.addf %get3A_962, %mul3A_968 : vector<16xf32>
        %mul3A_970 = arith.constant 8.000000e+00 : f32
        %mul3A_971 = vector.broadcast %mul3A_970 : f32 to vector<16xf32>
        %mul3A_972 = arith.mulf %add3A_969, %mul3A_971 : vector<16xf32>
        %swap3A_973 = arith.index_cast %add3A_925 : i32 to index
        %swap3A_974 = arith.constant 32 : index
        %swap3A_975 = tpu.vector_load %arg8[%swap3A_973, %swap3A_974] {strides = array<i32>} : memref<400x64xf32, #tpu.memory_space<vmem>>, vector<16xf32>,
        tpu.vector_store %arg8[%swap3A_973, %swap3A_974], %mul3A_972 {strides = array<i32>} : memref<400x64xf32, #tpu.memory_space<vmem>>, vector<16xf32>,
        %get3A_976 = arith.index_cast %add3A_925 : i32 to index
        %get3A_977 = arith.constant 48 : index
        %get3A_978 = tpu.vector_load %arg7[%get3A_976, %get3A_977] {strides = array<i32>} : memref<400x128xf32, #tpu.memory_space<vmem>>, vector<16xf32>,
        %get3A_979 = arith.index_cast %add3A_925 : i32 to index
        %get3A_980 = arith.constant 112 : index
        %get3A_981 = tpu.vector_load %arg7[%get3A_979, %get3A_980] {strides = array<i32>} : memref<400x128xf32, #tpu.memory_space<vmem>>, vector<16xf32>,
        %sub3A_982 = arith.subf %get3A_981, %get3A_978 : vector<16xf32>
        %mul3A_983 = vector.broadcast %squeeze3A_927 : f32 to vector<16xf32>
        %mul3A_984 = arith.mulf %mul3A_983, %sub3A_982 : vector<16xf32>
        %add3A_985 = arith.addf %get3A_978, %mul3A_984 : vector<16xf32>
        %mul3A_986 = arith.constant 8.000000e+00 : f32
        %mul3A_987 = vector.broadcast %mul3A_986 : f32 to vector<16xf32>
        %mul3A_988 = arith.mulf %add3A_985, %mul3A_987 : vector<16xf32>
        %swap3A_989 = arith.index_cast %add3A_925 : i32 to index
        %swap3A_990 = arith.constant 48 : index
        %swap3A_991 = tpu.vector_load %arg8[%swap3A_989, %swap3A_990] {strides = array<i32>} : memref<400x64xf32, #tpu.memory_space<vmem>>, vector<16xf32>,
        tpu.vector_store %arg8[%swap3A_989, %swap3A_990], %mul3A_988 {strides = array<i32>} : memref<400x64xf32, #tpu.memory_space<vmem>>, vector<16xf32>,
        %add3A_992 = arith.constant 14 : i32
        %add3A_993 = arith.addi %mul3A_38, %add3A_992 : i32
        %slice3A_994 = vector.extract_strided_slice %convert_element_type3A {offsets = [14], sizes = [1], strides = [1]} : vector<16xf32> to vector<1xf32>
        %squeeze3A_995 = vector.extract %slice3A_994[0] : f32 from vector<1xf32>
        %get3A_996 = arith.index_cast %add3A_993 : i32 to index
        %get3A_997 = arith.constant 0 : index
        %get3A_998 = tpu.vector_load %arg7[%get3A_996, %get3A_997] {strides = array<i32>} : memref<400x128xf32, #tpu.memory_space<vmem>>, vector<16xf32>,
        %get3A_999 = arith.index_cast %add3A_993 : i32 to index
        %get3A_1000 = arith.constant 64 : index
        %get3A_1001 = tpu.vector_load %arg7[%get3A_999, %get3A_1000] {strides = array<i32>} : memref<400x128xf32, #tpu.memory_space<vmem>>, vector<16xf32>,
        %sub3A_1002 = arith.subf %get3A_1001, %get3A_998 : vector<16xf32>
        %mul3A_1003 = vector.broadcast %squeeze3A_995 : f32 to vector<16xf32>
        %mul3A_1004 = arith.mulf %mul3A_1003, %sub3A_1002 : vector<16xf32>
        %add3A_1005 = arith.addf %get3A_998, %mul3A_1004 : vector<16xf32>
        %mul3A_1006 = arith.constant 8.000000e+00 : f32
        %mul3A_1007 = vector.broadcast %mul3A_1006 : f32 to vector<16xf32>
        %mul3A_1008 = arith.mulf %add3A_1005, %mul3A_1007 : vector<16xf32>
        %swap3A_1009 = arith.index_cast %add3A_993 : i32 to index
        %swap3A_1010 = arith.constant 0 : index
        %swap3A_1011 = tpu.vector_load %arg8[%swap3A_1009, %swap3A_1010] {strides = array<i32>} : memref<400x64xf32, #tpu.memory_space<vmem>>, vector<16xf32>,
        tpu.vector_store %arg8[%swap3A_1009, %swap3A_1010], %mul3A_1008 {strides = array<i32>} : memref<400x64xf32, #tpu.memory_space<vmem>>, vector<16xf32>,
        %get3A_1012 = arith.index_cast %add3A_993 : i32 to index
        %get3A_1013 = arith.constant 16 : index
        %get3A_1014 = tpu.vector_load %arg7[%get3A_1012, %get3A_1013] {strides = array<i32>} : memref<400x128xf32, #tpu.memory_space<vmem>>, vector<16xf32>,
        %get3A_1015 = arith.index_cast %add3A_993 : i32 to index
        %get3A_1016 = arith.constant 80 : index
        %get3A_1017 = tpu.vector_load %arg7[%get3A_1015, %get3A_1016] {strides = array<i32>} : memref<400x128xf32, #tpu.memory_space<vmem>>, vector<16xf32>,
        %sub3A_1018 = arith.subf %get3A_1017, %get3A_1014 : vector<16xf32>
        %mul3A_1019 = vector.broadcast %squeeze3A_995 : f32 to vector<16xf32>
        %mul3A_1020 = arith.mulf %mul3A_1019, %sub3A_1018 : vector<16xf32>
        %add3A_1021 = arith.addf %get3A_1014, %mul3A_1020 : vector<16xf32>
        %mul3A_1022 = arith.constant 8.000000e+00 : f32
        %mul3A_1023 = vector.broadcast %mul3A_1022 : f32 to vector<16xf32>
        %mul3A_1024 = arith.mulf %add3A_1021, %mul3A_1023 : vector<16xf32>
        %swap3A_1025 = arith.index_cast %add3A_993 : i32 to index
        %swap3A_1026 = arith.constant 16 : index
        %swap3A_1027 = tpu.vector_load %arg8[%swap3A_1025, %swap3A_1026] {strides = array<i32>} : memref<400x64xf32, #tpu.memory_space<vmem>>, vector<16xf32>,
        tpu.vector_store %arg8[%swap3A_1025, %swap3A_1026], %mul3A_1024 {strides = array<i32>} : memref<400x64xf32, #tpu.memory_space<vmem>>, vector<16xf32>,
        %get3A_1028 = arith.index_cast %add3A_993 : i32 to index
        %get3A_1029 = arith.constant 32 : index
        %get3A_1030 = tpu.vector_load %arg7[%get3A_1028, %get3A_1029] {strides = array<i32>} : memref<400x128xf32, #tpu.memory_space<vmem>>, vector<16xf32>,
        %get3A_1031 = arith.index_cast %add3A_993 : i32 to index
        %get3A_1032 = arith.constant 96 : index
        %get3A_1033 = tpu.vector_load %arg7[%get3A_1031, %get3A_1032] {strides = array<i32>} : memref<400x128xf32, #tpu.memory_space<vmem>>, vector<16xf32>,
        %sub3A_1034 = arith.subf %get3A_1033, %get3A_1030 : vector<16xf32>
        %mul3A_1035 = vector.broadcast %squeeze3A_995 : f32 to vector<16xf32>
        %mul3A_1036 = arith.mulf %mul3A_1035, %sub3A_1034 : vector<16xf32>
        %add3A_1037 = arith.addf %get3A_1030, %mul3A_1036 : vector<16xf32>
        %mul3A_1038 = arith.constant 8.000000e+00 : f32
        %mul3A_1039 = vector.broadcast %mul3A_1038 : f32 to vector<16xf32>
        %mul3A_1040 = arith.mulf %add3A_1037, %mul3A_1039 : vector<16xf32>
        %swap3A_1041 = arith.index_cast %add3A_993 : i32 to index
        %swap3A_1042 = arith.constant 32 : index
        %swap3A_1043 = tpu.vector_load %arg8[%swap3A_1041, %swap3A_1042] {strides = array<i32>} : memref<400x64xf32, #tpu.memory_space<vmem>>, vector<16xf32>,
        tpu.vector_store %arg8[%swap3A_1041, %swap3A_1042], %mul3A_1040 {strides = array<i32>} : memref<400x64xf32, #tpu.memory_space<vmem>>, vector<16xf32>,
        %get3A_1044 = arith.index_cast %add3A_993 : i32 to index
        %get3A_1045 = arith.constant 48 : index
        %get3A_1046 = tpu.vector_load %arg7[%get3A_1044, %get3A_1045] {strides = array<i32>} : memref<400x128xf32, #tpu.memory_space<vmem>>, vector<16xf32>,
        %get3A_1047 = arith.index_cast %add3A_993 : i32 to index
        %get3A_1048 = arith.constant 112 : index
        %get3A_1049 = tpu.vector_load %arg7[%get3A_1047, %get3A_1048] {strides = array<i32>} : memref<400x128xf32, #tpu.memory_space<vmem>>, vector<16xf32>,
        %sub3A_1050 = arith.subf %get3A_1049, %get3A_1046 : vector<16xf32>
        %mul3A_1051 = vector.broadcast %squeeze3A_995 : f32 to vector<16xf32>
        %mul3A_1052 = arith.mulf %mul3A_1051, %sub3A_1050 : vector<16xf32>
        %add3A_1053 = arith.addf %get3A_1046, %mul3A_1052 : vector<16xf32>
        %mul3A_1054 = arith.constant 8.000000e+00 : f32
        %mul3A_1055 = vector.broadcast %mul3A_1054 : f32 to vector<16xf32>
        %mul3A_1056 = arith.mulf %add3A_1053, %mul3A_1055 : vector<16xf32>
        %swap3A_1057 = arith.index_cast %add3A_993 : i32 to index
        %swap3A_1058 = arith.constant 48 : index
        %swap3A_1059 = tpu.vector_load %arg8[%swap3A_1057, %swap3A_1058] {strides = array<i32>} : memref<400x64xf32, #tpu.memory_space<vmem>>, vector<16xf32>,
        tpu.vector_store %arg8[%swap3A_1057, %swap3A_1058], %mul3A_1056 {strides = array<i32>} : memref<400x64xf32, #tpu.memory_space<vmem>>, vector<16xf32>,
        %add3A_1060 = arith.constant 15 : i32
        %add3A_1061 = arith.addi %mul3A_38, %add3A_1060 : i32
        %slice3A_1062 = vector.extract_strided_slice %convert_element_type3A {offsets = [15], sizes = [1], strides = [1]} : vector<16xf32> to vector<1xf32>
        %squeeze3A_1063 = vector.extract %slice3A_1062[0] : f32 from vector<1xf32>
        %get3A_1064 = arith.index_cast %add3A_1061 : i32 to index
        %get3A_1065 = arith.constant 0 : index
        %get3A_1066 = tpu.vector_load %arg7[%get3A_1064, %get3A_1065] {strides = array<i32>} : memref<400x128xf32, #tpu.memory_space<vmem>>, vector<16xf32>,
        %get3A_1067 = arith.index_cast %add3A_1061 : i32 to index
        %get3A_1068 = arith.constant 64 : index
        %get3A_1069 = tpu.vector_load %arg7[%get3A_1067, %get3A_1068] {strides = array<i32>} : memref<400x128xf32, #tpu.memory_space<vmem>>, vector<16xf32>,
        %sub3A_1070 = arith.subf %get3A_1069, %get3A_1066 : vector<16xf32>
        %mul3A_1071 = vector.broadcast %squeeze3A_1063 : f32 to vector<16xf32>
        %mul3A_1072 = arith.mulf %mul3A_1071, %sub3A_1070 : vector<16xf32>
        %add3A_1073 = arith.addf %get3A_1066, %mul3A_1072 : vector<16xf32>
        %mul3A_1074 = arith.constant 8.000000e+00 : f32
        %mul3A_1075 = vector.broadcast %mul3A_1074 : f32 to vector<16xf32>
        %mul3A_1076 = arith.mulf %add3A_1073, %mul3A_1075 : vector<16xf32>
        %swap3A_1077 = arith.index_cast %add3A_1061 : i32 to index
        %swap3A_1078 = arith.constant 0 : index
        %swap3A_1079 = tpu.vector_load %arg8[%swap3A_1077, %swap3A_1078] {strides = array<i32>} : memref<400x64xf32, #tpu.memory_space<vmem>>, vector<16xf32>,
        tpu.vector_store %arg8[%swap3A_1077, %swap3A_1078], %mul3A_1076 {strides = array<i32>} : memref<400x64xf32, #tpu.memory_space<vmem>>, vector<16xf32>,
        %get3A_1080 = arith.index_cast %add3A_1061 : i32 to index
        %get3A_1081 = arith.constant 16 : index
        %get3A_1082 = tpu.vector_load %arg7[%get3A_1080, %get3A_1081] {strides = array<i32>} : memref<400x128xf32, #tpu.memory_space<vmem>>, vector<16xf32>,
        %get3A_1083 = arith.index_cast %add3A_1061 : i32 to index
        %get3A_1084 = arith.constant 80 : index
        %get3A_1085 = tpu.vector_load %arg7[%get3A_1083, %get3A_1084] {strides = array<i32>} : memref<400x128xf32, #tpu.memory_space<vmem>>, vector<16xf32>,
        %sub3A_1086 = arith.subf %get3A_1085, %get3A_1082 : vector<16xf32>
        %mul3A_1087 = vector.broadcast %squeeze3A_1063 : f32 to vector<16xf32>
        %mul3A_1088 = arith.mulf %mul3A_1087, %sub3A_1086 : vector<16xf32>
        %add3A_1089 = arith.addf %get3A_1082, %mul3A_1088 : vector<16xf32>
        %mul3A_1090 = arith.constant 8.000000e+00 : f32
        %mul3A_1091 = vector.broadcast %mul3A_1090 : f32 to vector<16xf32>
        %mul3A_1092 = arith.mulf %add3A_1089, %mul3A_1091 : vector<16xf32>
        %swap3A_1093 = arith.index_cast %add3A_1061 : i32 to index
        %swap3A_1094 = arith.constant 16 : index
        %swap3A_1095 = tpu.vector_load %arg8[%swap3A_1093, %swap3A_1094] {strides = array<i32>} : memref<400x64xf32, #tpu.memory_space<vmem>>, vector<16xf32>,
        tpu.vector_store %arg8[%swap3A_1093, %swap3A_1094], %mul3A_1092 {strides = array<i32>} : memref<400x64xf32, #tpu.memory_space<vmem>>, vector<16xf32>,
        %get3A_1096 = arith.index_cast %add3A_1061 : i32 to index
        %get3A_1097 = arith.constant 32 : index
        %get3A_1098 = tpu.vector_load %arg7[%get3A_1096, %get3A_1097] {strides = array<i32>} : memref<400x128xf32, #tpu.memory_space<vmem>>, vector<16xf32>,
        %get3A_1099 = arith.index_cast %add3A_1061 : i32 to index
        %get3A_1100 = arith.constant 96 : index
        %get3A_1101 = tpu.vector_load %arg7[%get3A_1099, %get3A_1100] {strides = array<i32>} : memref<400x128xf32, #tpu.memory_space<vmem>>, vector<16xf32>,
        %sub3A_1102 = arith.subf %get3A_1101, %get3A_1098 : vector<16xf32>
        %mul3A_1103 = vector.broadcast %squeeze3A_1063 : f32 to vector<16xf32>
        %mul3A_1104 = arith.mulf %mul3A_1103, %sub3A_1102 : vector<16xf32>
        %add3A_1105 = arith.addf %get3A_1098, %mul3A_1104 : vector<16xf32>
        %mul3A_1106 = arith.constant 8.000000e+00 : f32
        %mul3A_1107 = vector.broadcast %mul3A_1106 : f32 to vector<16xf32>
        %mul3A_1108 = arith.mulf %add3A_1105, %mul3A_1107 : vector<16xf32>
        %swap3A_1109 = arith.index_cast %add3A_1061 : i32 to index
        %swap3A_1110 = arith.constant 32 : index
        %swap3A_1111 = tpu.vector_load %arg8[%swap3A_1109, %swap3A_1110] {strides = array<i32>} : memref<400x64xf32, #tpu.memory_space<vmem>>, vector<16xf32>,
        tpu.vector_store %arg8[%swap3A_1109, %swap3A_1110], %mul3A_1108 {strides = array<i32>} : memref<400x64xf32, #tpu.memory_space<vmem>>, vector<16xf32>,
        %get3A_1112 = arith.index_cast %add3A_1061 : i32 to index
        %get3A_1113 = arith.constant 48 : index
        %get3A_1114 = tpu.vector_load %arg7[%get3A_1112, %get3A_1113] {strides = array<i32>} : memref<400x128xf32, #tpu.memory_space<vmem>>, vector<16xf32>,
        %get3A_1115 = arith.index_cast %add3A_1061 : i32 to index
        %get3A_1116 = arith.constant 112 : index
        %get3A_1117 = tpu.vector_load %arg7[%get3A_1115, %get3A_1116] {strides = array<i32>} : memref<400x128xf32, #tpu.memory_space<vmem>>, vector<16xf32>,
        %sub3A_1118 = arith.subf %get3A_1117, %get3A_1114 : vector<16xf32>
        %mul3A_1119 = vector.broadcast %squeeze3A_1063 : f32 to vector<16xf32>
        %mul3A_1120 = arith.mulf %mul3A_1119, %sub3A_1118 : vector<16xf32>
        %add3A_1121 = arith.addf %get3A_1114, %mul3A_1120 : vector<16xf32>
        %mul3A_1122 = arith.constant 8.000000e+00 : f32
        %mul3A_1123 = vector.broadcast %mul3A_1122 : f32 to vector<16xf32>
        %mul3A_1124 = arith.mulf %add3A_1121, %mul3A_1123 : vector<16xf32>
        %swap3A_1125 = arith.index_cast %add3A_1061 : i32 to index
        %swap3A_1126 = arith.constant 48 : index
        %swap3A_1127 = tpu.vector_load %arg8[%swap3A_1125, %swap3A_1126] {strides = array<i32>} : memref<400x64xf32, #tpu.memory_space<vmem>>, vector<16xf32>,
        tpu.vector_store %arg8[%swap3A_1125, %swap3A_1126], %mul3A_1124 {strides = array<i32>} : memref<400x64xf32, #tpu.memory_space<vmem>>, vector<16xf32>,
      }
      %scan3A_35 = arith.constant 25 : i32
      "tpu.region"() ({
        %run_scoped3A = tpu.sem_alloc : memref<!tpu.dma_semaphore, #tpu.memory_space<semaphore_mem>>
        %dma_start3A_36 = arith.constant 0 : i32
        %dma_start3A_37 = tpu.memref_slice %arg4[%add3A_11, %dma_start3A_36] : memref<204800x64xf32, #tpu.memory_space<hbm>> -> memref<400x64xf32, #tpu.memory_space<hbm>>
        %dma_start3A_38 = arith.constant 0 : i32
        %dma_start3A_39 = tpu.memref_slice %arg4[%add3A_11, %dma_start3A_38] : memref<204800x64xf32, #tpu.memory_space<hbm>> -> memref<400x64xf32, #tpu.memory_space<hbm>>
        tpu.enqueue_dma source(%arg8 : memref<400x64xf32, #tpu.memory_space<vmem>>) target(%dma_start3A_39 : memref<400x64xf32, #tpu.memory_space<hbm>>) target_semaphore(%run_scoped3A : memref<!tpu.dma_semaphore, #tpu.memory_space<semaphore_mem>>)
        %dma_wait3A_40 = arith.constant 0 : i32
        %dma_wait3A_41 = tpu.memref_slice %arg4[%add3A_11, %dma_wait3A_40] : memref<204800x64xf32, #tpu.memory_space<hbm>> -> memref<400x64xf32, #tpu.memory_space<hbm>>
        %dma_wait3A_42 = arith.constant 0 : i32
        %dma_wait3A_43 = tpu.memref_slice %arg4[%add3A_11, %dma_wait3A_42] : memref<204800x64xf32, #tpu.memory_space<hbm>> -> memref<400x64xf32, #tpu.memory_space<hbm>>
        tpu.wait_dma2 semaphore(%run_scoped3A : memref<!tpu.dma_semaphore, #tpu.memory_space<semaphore_mem>>) src(%arg8 : memref<400x64xf32, #tpu.memory_space<vmem>>) dst(%dma_wait3A_43 : memref<400x64xf32, #tpu.memory_space<hbm>>)
        tpu.yield
      }) : () -> ()
    }
    %scan3A_7 = arith.constant 16 : i32
    return
  }
}

</mosaic_0001>

<sc_bundles>
// kernel: kernel.3.cloned.1.call-start
scs
__scs_entry_jumppad:
0x0: {  	(pc) =	sbr.rel $0x88, $3  }
0x1: {  	(tag) =	ssettag $0x0;
	lr =	simm.s32 $0x1  }
0x2: {  	[smem:$0x3F9F] =	sst lr;
	_ =	strace $0xD0000000  }
0x3: {  	_ = 	snop  }
0x4: {  	_ = 	snop  }
0x5: {  	_ = 	snop  }
0x6: {  	_ = 	snop  }
0x7: {  	_ = 	snop  }
__scs_overlays_trampoline_lowered:
0x8: {  	[smem:$0x3FAE] =	sst s0  }
0x9: {  	[smem:$0x3FAF] =	sst s1  }
0xa: {  	[smem:$0x3FB0] =	sst s2  }
0xb: {  	[smem:$0x3FB1] =	sst s3  }
0xc: {  	[smem:$0x3FB2] =	sst s4  }
0xd: {  	[smem:$0x3FB3] =	sst s5  }
0xe: {  	[smem:$0x3FB4] =	sst s6  }
0xf: {  	[smem:$0x3FB5] =	sst s7  }
0x10: {  	[smem:$0x3FB6] =	sst s8  }
0x11: {  	[smem:$0x3FB7] =	sst s9;
	s0 =	simm.s32 @!p0 $0x0  }
0x12: {  	s1 =	sld [smem:$0x3F9D];
	s0 =	simm.s32 @p0 $0x1  }
0x13: {  	[smem:$0x3FB8] =	sst s0;
	s0 =	simm.s32 @!p1 $0x0  }
0x14: {  	s2 =	sld [smem:$0x3F9C];
	s0 =	simm.s32 @p1 $0x1  }
0x15: {  	[smem:$0x3FB9] =	sst s0;
	s0 =	simm.s32 @!p2 $0x0  }
0x16: {  	s3 =	sld [smem:$0x3FDB];
	s0 =	simm.s32 @p2 $0x1  }
0x17: {  	s4 =	simm.s32 $0x1BF5;
	[smem:$0x3FBB] =	sst s0  }
0x18: {  	s0 =	sld [smem:$0x3F9E];
	_ =	swait.ge [sflag:s4], $0x0  }
0x19: {  	s7 =	sld [smem:$0x3F9F]  }
0x1a: {  	s8 =	sadd.s32 $0xFFFFE003, lr  }
0x1b: {  	s9 =	sadd.s32 $0xFFFFFEF7, lr;
	s5 =	simm.s32 $0xFFFFFFFF;
	p2 =	slt.u32 s8, $0xFFFFF086  }
0x1c: {  	p1 =	slt.u32 s9, $0xF7A;
	s5 =	simm.s32 @!p2 $0x0  }
0x1d: {  	s5 =	simm.s32 @p1 $0x1;
	p0 =	seq.s32 s7, s2  }
0x1e: {  	s7 =	smul.u32 @!p0 $0xF7A, s2;
	p2 =	seq.s32 @!p0 s5, $0x0  }
0x1f: {  	s9 =	smul.u32 $0xF7A, s1;
	s8 =	simm.s32 @!p0 $0x1BF5;
	p2 =	por !p2, p0  }
0x20: {  	[sflag:s8] =	ssyncset.s32 @!p0 $0xFFFFF086;
	s6 =	sadd.s32 @!p0 s3, s7;
	s7 =	simm.s32 @!p0 $0x108  }
0x21: {  	s3 =	sadd.s32 s3, s9;
	s6 =	sadd.s32 @!p0 $0x88, s6;
	s7 =	simm.s32 @p2 $0x1082  }
0x22: {  	[simem:s7], [sflag:s8] =	dma.local @!p0 [hbm:s6], $0xF7A  }
0x23: {  	s9 =	sor.u32 $0xD0000000, s2;
	s6 =	simm.s32 $0x108;
	_ =	swait.ge @!p0 [sflag:s8], $0x0  }
0x24: {  	s3 =	sadd.s32 $0x88, s3;
	s6 =	simm.s32 @!p1 $0x1082;
	[sflag:s4] =	ssyncset.s32 $0xFFFFF086  }
0x25: {  	[simem:s6], [sflag:s4] =	dma.local [hbm:s3], $0xF7A  }
0x26: {  	[smem:$0x3F9F] =	sst s1;
	(tag) =	ssettag s2;
	_ =	strace s9  }
0x27: {  	s1 =	sld [smem:$0x3FAF]  }
0x28: {  	s2 =	sld [smem:$0x3FB0]  }
0x29: {  	s4 =	sld [smem:$0x3FB2]  }
0x2a: {  	p0 =	seq.s32 s5, $0x0;
	s5 =	sld [smem:$0x3FB3]  }
0x2b: {  	s6 =	sld [smem:$0x3FB4]  }
0x2c: {  	s7 =	sld [smem:$0x3FB5]  }
0x2d: {  	s3 =	simm.s32 $0x108;
	s8 =	sld [smem:$0x3FB6]  }
0x2e: {  	s3 =	simm.s32 @!p0 $0x1082;
	s9 =	sld [smem:$0x3FB7]  }
0x2f: {  	lr =	sadd.s32 s0, s3;
	s0 =	sld [smem:$0x3FAE]  }
0x30: {  	s3 =	sld [smem:$0x3FB1]  }
0x31: {  	[smem:$0x3FBA] =	sst s10  }
0x32: {  	s10 =	sld [smem:$0x3FB8];
	_ =	sdelay $0x3  }
0x33: {  	p0 =	seq.s32 s10, $0x1;
	s10 =	sld [smem:$0x3FBA];
	_ =	sdelay $0x3  }
0x34: {  	[smem:$0x3FBA] =	sst s10  }
0x35: {  	s10 =	sld [smem:$0x3FB9];
	_ =	sdelay $0x3  }
0x36: {  	p1 =	seq.s32 s10, $0x1;
	s10 =	sld [smem:$0x3FBA];
	_ =	sdelay $0x3  }
0x37: {  	[smem:$0x3FBA] =	sst s10  }
0x38: {  	s10 =	sld [smem:$0x3FBB]  }
0x39: {  	_ = 	snop;
	(pc) =	sbr.ind lr, $3  }
0x3a: {  	_ = 	snop  }
0x3b: {  	_ = 	snop  }
0x3c: {  	p2 =	seq.s32 s10, $0x1;
	s10 =	sld [smem:$0x3FBA]  }
0x3d: {  	_ =	shalt  }
0x3e: {  	_ =	shalt  }
0x3f: {  	_ =	shalt  }
0x40: {  	_ =	shalt  }
0x41: {  	_ =	shalt  }
0x42: {  	_ =	shalt  }
0x43: {  	_ =	shalt  }
0x44: {  	_ =	shalt  }
0x45: {  	_ =	shalt  }
0x46: {  	_ =	shalt  }
0x47: {  	_ =	shalt  }
0x48: {  	_ =	shalt  }
0x49: {  	_ =	shalt  }
0x4a: {  	_ =	shalt  }
0x4b: {  	_ =	shalt  }
0x4c: {  	_ =	shalt  }
0x4d: {  	_ =	shalt  }
0x4e: {  	_ =	shalt  }
0x4f: {  	_ =	shalt  }
0x50: {  	_ =	shalt  }
0x51: {  	_ =	shalt  }
0x52: {  	_ =	shalt  }
0x53: {  	_ =	shalt  }
0x54: {  	_ =	shalt  }
0x55: {  	_ =	shalt  }
0x56: {  	_ =	shalt  }
0x57: {  	_ =	shalt  }
0x58: {  	_ =	shalt  }
0x59: {  	_ =	shalt  }
0x5a: {  	_ =	shalt  }
0x5b: {  	_ =	shalt  }
0x5c: {  	_ =	shalt  }
0x5d: {  	_ =	shalt  }
0x5e: {  	_ =	shalt  }
0x5f: {  	_ =	shalt  }
0x60: {  	_ =	shalt  }
0x61: {  	_ =	shalt  }
0x62: {  	_ =	shalt  }
0x63: {  	_ =	shalt  }
0x64: {  	_ =	shalt  }
0x65: {  	_ =	shalt  }
0x66: {  	_ =	shalt  }
0x67: {  	_ =	shalt  }
0x68: {  	_ =	shalt  }
0x69: {  	_ =	shalt  }
0x6a: {  	_ =	shalt  }
0x6b: {  	_ =	shalt  }
0x6c: {  	_ =	shalt  }
0x6d: {  	_ =	shalt  }
0x6e: {  	_ =	shalt  }
0x6f: {  	_ =	shalt  }
0x70: {  	_ =	shalt  }
0x71: {  	_ =	shalt  }
0x72: {  	_ =	shalt  }
0x73: {  	_ =	shalt  }
0x74: {  	_ =	shalt  }
0x75: {  	_ =	shalt  }
0x76: {  	_ =	shalt  }
0x77: {  	_ =	shalt  }
0x78: {  	_ =	shalt  }
0x79: {  	_ =	shalt  }
0x7a: {  	_ =	shalt  }
0x7b: {  	_ =	shalt  }
0x7c: {  	_ =	shalt  }
0x7d: {  	_ =	shalt  }
0x7e: {  	_ =	shalt  }
0x7f: {  	_ =	shalt  }
0x80: {  	_ =	shalt  }
0x81: {  	_ =	shalt  }
0x82: {  	_ =	shalt  }
0x83: {  	_ =	shalt  }
0x84: {  	_ =	shalt  }
0x85: {  	_ =	shalt  }
0x86: {  	_ =	shalt  }
0x87: {  	_ =	shalt  }
.Lfunc_end0:
.L_simem_size_0:
called_computation.1_lowered:
.L_overlay_start_0:
0x88: {  	s2 =	sld [smem:$0x3FD9]  }
0x89: {  	s3 =	sld [smem:$0x3FFE];
	_ =	sdelay $0x1  }
0x8a: {  	s1 =	srdreg.scid  }
0x8b: {  	s0 =	sand.u32 $0x1, s1  }
0x8c: {  	s17 =	sshll.u32 s0, $0xA;
	s2 =	sadd.s32 s3, s2  }
0x8d: {  	s2 =	sadd.s32 s2, s17  }
0x8e: {  	[smem:$0x3FC6] =	sst s2  }
0x8f: {  	_ = 	snop  }
0x90: {  	s2 =	sld [smem:$0x3FD0];
	(tm) =	ssettm $0x1  }
0x91: {  	s18 =	sld [smem:$0x3FFB];
	_ =	sdelay $0x3  }
0x92: {  	_ =	strace s18  }
0x93: {  	s3 =	sld [smem:$0x3FFC];
	_ =	sdelay $0x3  }
0x94: {  	_ =	strace s3  }
0x95: {  	s3 =	sld [smem:$0x3FFD];
	_ =	sdelay $0x3  }
0x96: {  	_ =	strace s3  }
0x97: {  	_ =	strace $0x8FFFFFFF  }
0x98: {  	s19 =	sld [smem:$0x3FDB];
	_ =	sdelay $0x1  }
0x99: {  	s4 =	simm.s32 $_scs_section_size  }
0x9a: {  	s5 =	simm.s32 $_size__tile_overlayer_lowered;
	s6 =	simm.s32 $_tile_overlayer_lowered  }
0x9b: {  	s22 =	simm.s32 $0x1BFF;
	s21 =	sshll.u32 s6, $0x1;
	s3 =	sadd.s32 s4, s19  }
0x9c: {  	s7 =	simm.s32 $0x0;
	s20 =	sshll.u32 s5, $0x1;
	s5 =	sadd.s32 s21, s3  }
0x9d: {  	[timem:s7], [sflag:s22] =	dma.local [hbm:s5], s20  }
0x9e: {  	_ =	swait.ge [sflag:s22], s20  }
0x9f: {  	s4 =	ssub.s32 $0x0, s20;
	[sflag:s22] =	ssyncset.done $0x0  }
0xa0: {  	[sflag:s22] =	ssyncadd.s32 s4;
	_ =	sdelay $0x1  }
0xa1: {  	s23 =	simm.s32 $0x1B8B  }
0xa2: {  	_ =	swait.ge [sflag:s23], $0x1  }
0xa3: {  	[sflag:s23] =	ssyncset.done $0x0  }
0xa4: {  	s25 =	simm.s32 $0x1B8E;
	s24 =	sld [smem:$0x3FFE];
	[sflag:s23] =	ssyncadd.s32 $0xFFFFFFFF  }
0xa5: {  	s26 =	simm.s32 $execute0_lowered;
	[smem:$0x3FD2] =	sst s25  }
0xa6: {  	s5 =	sshll.u32 s26, $0x1;
	_ =	strace $0x80000046;
	[dreg:$0x1] =	wrdreg $0xFFFFFFFF  }
0xa7: {  	s28 =	simm.s32 $_size_execute0_lowered;
	s3 =	sadd.s32 s3, s5;
	[dreg:$0x0] =	wrdreg $0x0  }
0xa8: {  	s5 =	sshll.u32 s28, $0x1;
	[dreg:$0x2] =	wrdreg s3  }
0xa9: {  	[dreg:$0x3] =	wrdreg s5  }
0xaa: {  	[dreg:$0x4] =	wrdreg $0xC0  }
0xab: {  	_ =	task [dreg:s7], $0x5FFFF  }
0xac: {  	[dreg:$0x1] =	wrdreg $0xFFFFFFFF  }
0xad: {  	[dreg:$0x0] =	wrdreg $0x60  }
0xae: {  	[dreg:$0x2] =	wrdreg s2  }
0xaf: {  	[dreg:$0x3] =	wrdreg s24  }
0xb0: {  	[dreg:$0x4] =	wrdreg $0x9  }
0xb1: {  	_ =	task.clear_ibuf [dreg:s7], $0x5FFFF;
	_ =	strace $0x90000046  }
0xb2: {  	s29 =	simm.s32 $0x9;
	_ =	strace $0x80000048  }
0xb3: {  	_ =	swait.ge [sflag:s29], $0x1  }
0xb4: {  	[sflag:s29] =	ssyncadd.s32 $0xFFFFFFFF  }
0xb5: {  	_ =	strace $0x90000048  }
0xb6: {  	_ =	sfence  }
0xb7: {  	s30 =	sld [smem:$0x0];
	_ =	sdelay $0x2  }
0xb8: {  	s31 =	sshll.u32 s1, $0xD;
	s1 =	sshrl.u32 s1, $0x2  }
0xb9: {  	s3 =	sand.u32 $0x4000, s31;
	s1 =	sadd.s32 s1, s30  }
0xba: {  	s0 =	sor.u32 s3, s0;
	s1 =	sshll.u32 s1, $0x11  }
0xbb: {  	s0 =	sor.u32 s1, s0  }
0xbc: {  	s0 =	sadd.s32 $0x8F2B, s0  }
0xbd: {  	[sflag:s0] =	ssyncadd.remote.s32 $0x1  }
0xbe: {  	_ =	sfence.sel $0xFFFF  }
0xbf: {  	[dreg:$0x0] =	wrdreg $0xFFFFFFFF;
	(pc) =	sbr.abs _section_cstart, $3  }
0xc0: {  	[dreg:$0x1] =	wrdreg $0xFFFFFFFF  }
0xc1: {  	_ =	task.clear_ibuf [dreg:s7], $0x2FFFF;
	_ =	strace $0x9FFFFFFF  }
0xc2: {  	(tm) =	ssettm $0x7FFFFFFF  }
0xc3: {  	_ =	shalt  }
tec
execute0_lowered:
.L_overlay_start_1:
0x0: {  	(tag) =	ssettag $0x1  }
0x1: {  	s1 =	rddreg [dreg:$0x0]  }
0x2: {  	s5 =	rddreg [dreg:$0x1]  }
0x3: {  	s0 =	rddreg [dreg:$0x2];
	s2 =	simm.s32 $0x0  }
0x4: {  	s3 =	srdreg.scid;
	s10 =	simm.s32 $0x200;
	s11 =	simm.s32 $0x400  }
0x5: {  	s12 =	simm.s32 $0x1;
	s13 =	simm.s32 $0xCC00;
	s14 =	simm.s32 $0x0  }
0x6: {  	[smem:$0x7FF] =	sst s2;
	s6 =	sand.u32 $0x1, s3;
	s3 =	stileid.u32  }
0x7: {  	s4 =	sadd.s32 $0xF42E00, s5;
	s5 =	sadd.s32 $0xA00, s5;
	s7 =	ssub.s32 $0x2, s6  }
0x8: {  	_ =	strace $0x80000047;
	s9 =	sshll.u32 s3, $0x1;
	s8 =	sshrl.u32 s7, $0x1  }
0x9: {  	s6 =	sor.u32 s6, s9;
	s9 =	simm.s32 $0x190;
	s7 =	ssub.s32 s7, s8  }
0xa: {  	s6 =	smul.u32 $0x1900, s6;
	s8 =	simm.s32 $0x2;
	s7 =	smax.u32 s7, $0x1  }
.LBB2_1:
0xb: {  	s15 =	simm.s32 $0x0  }
.LBB2_2:
0xc: {  	s16 =	smul.u32 $0x190, s15;
	_ =	sdelay $0x1  }
0xd: {  	s16 =	sadd.s32 s6, s16  }
0xe: {  	s17 =	sshrl.u32 s16, $0x3  }
0xf: {  	s18 =	simm.s32 $0x0;
	s17 =	sadd.s32 s1, s17  }
0x10: {  	[tilespmem:s18], [sflag:$0x2] =	stream.linear.gather [hbm4b:s17+s18], $0x190, $0x38;
	[tilespmem:$0x19400] =	vst v63  }
0x11: {  	_ =	swait.ge [sflag:s8], $0x190  }
0x12: {  	[sflag:s8] =	ssyncset.done $0x0  }
0x13: {  	[sflag:s8] =	ssyncadd.s32 $0xFFFFFE70  }
0x14: {  	v0 =	vld [tilespmem:$0x0]  }
0x15: {  	v1 =	vld [tilespmem:$0x10]  }
0x16: {  	v2 =	vld [tilespmem:$0x20]  }
0x17: {  	v3 =	vld [tilespmem:$0x30]  }
0x18: {  	v4 =	vld [tilespmem:$0x40]  }
0x19: {  	v5 =	vld [tilespmem:$0x50];
	v0 =	vshra.s32 v0, $0x1  }
0x1a: {  	[tilespmem:$0x200] =	vst v0;
	v0 =	vshra.s32 v1, $0x1;
	v1 =	vld [tilespmem:$0x60]  }
0x1b: {  	[tilespmem:$0x210] =	vst v0;
	v0 =	vshra.s32 v2, $0x1;
	v2 =	vld [tilespmem:$0x70]  }
0x1c: {  	[tilespmem:$0x220] =	vst v0;
	v0 =	vshra.s32 v3, $0x1;
	v3 =	vld [tilespmem:$0x80]  }
0x1d: {  	[tilespmem:$0x230] =	vst v0;
	v0 =	vshra.s32 v4, $0x1;
	v4 =	vld [tilespmem:$0x90]  }
0x1e: {  	[tilespmem:$0x240] =	vst v0;
	v0 =	vshra.s32 v5, $0x1;
	v5 =	vld [tilespmem:$0xA0]  }
0x1f: {  	[tilespmem:$0x250] =	vst v0;
	v0 =	vshra.s32 v1, $0x1;
	v1 =	vld [tilespmem:$0xB0]  }
0x20: {  	[tilespmem:$0x260] =	vst v0;
	v0 =	vshra.s32 v2, $0x1;
	v2 =	vld [tilespmem:$0xC0]  }
0x21: {  	[tilespmem:$0x270] =	vst v0;
	v0 =	vshra.s32 v3, $0x1;
	v3 =	vld [tilespmem:$0xD0]  }
0x22: {  	[tilespmem:$0x280] =	vst v0;
	v0 =	vshra.s32 v4, $0x1;
	v4 =	vld [tilespmem:$0xE0]  }
0x23: {  	[tilespmem:$0x290] =	vst v0;
	v0 =	vshra.s32 v5, $0x1;
	v5 =	vld [tilespmem:$0xF0]  }
0x24: {  	[tilespmem:$0x2A0] =	vst v0;
	v0 =	vshra.s32 v1, $0x1;
	v1 =	vld [tilespmem:$0x100]  }
0x25: {  	[tilespmem:$0x2B0] =	vst v0;
	v0 =	vshra.s32 v2, $0x1;
	v2 =	vld [tilespmem:$0x110]  }
0x26: {  	[tilespmem:$0x2C0] =	vst v0;
	v0 =	vshra.s32 v3, $0x1;
	v3 =	vld [tilespmem:$0x120]  }
0x27: {  	[tilespmem:$0x2D0] =	vst v0;
	v0 =	vshra.s32 v4, $0x1;
	v4 =	vld [tilespmem:$0x130]  }
0x28: {  	[tilespmem:$0x2E0] =	vst v0;
	v0 =	vshra.s32 v5, $0x1;
	v5 =	vld [tilespmem:$0x140]  }
0x29: {  	[tilespmem:$0x2F0] =	vst v0;
	v0 =	vshra.s32 v1, $0x1;
	v1 =	vld [tilespmem:$0x150]  }
0x2a: {  	[tilespmem:$0x300] =	vst v0;
	v0 =	vshra.s32 v2, $0x1;
	v2 =	vld [tilespmem:$0x160]  }
0x2b: {  	[tilespmem:$0x310] =	vst v0;
	v0 =	vshra.s32 v3, $0x1;
	v3 =	vld [tilespmem:$0x170]  }
0x2c: {  	[tilespmem:$0x320] =	vst v0;
	v0 =	vshra.s32 v4, $0x1;
	v4 =	vld [tilespmem:$0x180]  }
0x2d: {  	[tilespmem:$0x330] =	vst v0;
	v0 =	vshra.s32 v5, $0x1  }
0x2e: {  	[tilespmem:$0x340] =	vst v0;
	v0 =	vshra.s32 v1, $0x1  }
0x2f: {  	[tilespmem:$0x350] =	vst v0;
	v0 =	vshra.s32 v2, $0x1  }
0x30: {  	[tilespmem:$0x360] =	vst v0;
	v0 =	vshra.s32 v3, $0x1  }
0x31: {  	[tilespmem:$0x370] =	vst v0;
	v0 =	vshra.s32 v4, $0x1  }
0x32: {  	[tilespmem:$0x380] =	vst v0  }
0x33: {  	[tilespmem:s11], [sflag:$0x1] =	stream.indirect.gather [hbm4b:s4+s9], $0x80, s10, s9, $0xb8;
	[tilespmem:$0x19400] =	vst v63  }
0x34: {  	_ =	swait.ge [sflag:s12], $0xC800  }
0x35: {  	[sflag:s12] =	ssyncset.done $0x0  }
0x36: {  	s17 =	simm.s32 $0x0;
	[sflag:s12] =	ssyncadd.s32 $0xFFFF3800  }
0x37: {  	v4 =	vld [tilespmem:s17+$0x400]  }
0x38: {  	v0 =	vld [tilespmem:s17+$0x440]  }
0x39: {  	v7 =	vld [tilespmem:s17+$0x410]  }
0x3a: {  	v1 =	vld [tilespmem:s17+$0x450]  }
0x3b: {  	v17 =	vld [tilespmem:s17+$0x420]  }
0x3c: {  	v8 =	vld [tilespmem:s17+$0x460]  }
0x3d: {  	v23 =	vld [tilespmem:s17+$0x430]  }
0x3e: {  	v6 =	vld [tilespmem:s17+$0x470]  }
0x3f: {  	v26 =	vld [tilespmem:s17+$0x480]  }
0x40: {  	v34 =	vld [tilespmem:s17+$0x4C0]  }
0x41: {  	v27 =	vld [tilespmem:s17+$0x490]  }
0x42: {  	v39 =	vld [tilespmem:s17+$0x4D0]  }
0x43: {  	v22 =	vld [tilespmem:s17+$0x4A0]  }
0x44: {  	v41 =	vld [tilespmem:s17+$0x4E0]  }
0x45: {  	v24 =	vld [tilespmem:s17+$0x4B0]  }
0x46: {  	v45 =	vld [tilespmem:s17+$0x4F0]  }
0x47: {  	v25 =	vld [tilespmem:s17+$0x500]  }
0x48: {  	v47 =	vld [tilespmem:s17+$0x540]  }
0x49: {  	v29 =	vld [tilespmem:s17+$0x510]  }
0x4a: {  	v50 =	vld [tilespmem:s17+$0x550]  }
0x4b: {  	v28 =	vld [tilespmem:s17+$0x520]  }
0x4c: {  	v2 =	vld [tilespmem:s17+$0x560]  }
0x4d: {  	v30 =	vld [tilespmem:s17+$0x530]  }
0x4e: {  	v3 =	vld [tilespmem:s17+$0x570]  }
0x4f: {  	v20 =	vld [tilespmem:s17+$0x580]  }
0x50: {  	v9 =	vld [tilespmem:s17+$0x5C0]  }
0x51: {  	v21 =	vld [tilespmem:s17+$0x590]  }
0x52: {  	v53 =	vld [tilespmem:s17+$0x5D0]  }
0x53: {  	v18 =	vld [tilespmem:s17+$0x5A0]  }
0x54: {  	v44 =	vld [tilespmem:s17+$0x5E0]  }
0x55: {  	v19 =	vld [tilespmem:s17+$0x5B0]  }
0x56: {  	v46 =	vld [tilespmem:s17+$0x5F0]  }
0x57: {  	v16 =	vld [tilespmem:s17+$0x600]  }
0x58: {  	v43 =	vld [tilespmem:s17+$0x640]  }
0x59: {  	v15 =	vld [tilespmem:s17+$0x610]  }
0x5a: {  	v42 =	vld [tilespmem:s17+$0x650]  }
0x5b: {  	v14 =	vld [tilespmem:s17+$0x620]  }
0x5c: {  	v31 =	vld [tilespmem:s17+$0x660]  }
0x5d: {  	v13 =	vld [tilespmem:s17+$0x630]  }
0x5e: {  	v40 =	vld [tilespmem:s17+$0x670]  }
0x5f: {  	v12 =	vld [tilespmem:s17+$0x680]  }
0x60: {  	v38 =	vld [tilespmem:s17+$0x6C0]  }
0x61: {  	v11 =	vld [tilespmem:s17+$0x690]  }
0x62: {  	v37 =	vld [tilespmem:s17+$0x6D0]  }
0x63: {  	v63 =	vld [tilespmem:s17+$0x6A0]  }
0x64: {  	v10 =	vld [tilespmem:s17+$0x6E0]  }
0x65: {  	v59 =	vld [tilespmem:s17+$0x6B0]  }
0x66: {  	v32 =	vld [tilespmem:s17+$0x6F0]  }
0x67: {  	v57 =	vld [tilespmem:s17+$0x700]  }
0x68: {  	v33 =	vld [tilespmem:s17+$0x740]  }
0x69: {  	v56 =	vld [tilespmem:s17+$0x710]  }
0x6a: {  	v35 =	vld [tilespmem:s17+$0x750]  }
0x6b: {  	v5 =	vld [tilespmem:s17+$0x720];
	v49 =	vsub.f32 v0, v4;
	v1 =	vsub.f32 v1, v7  }
0x6c: {  	v36 =	vld [tilespmem:s17+$0x760];
	v0 =	vsub.f32 v8, v17;
	v8 =	vsub.f32 v6, v23  }
0x6d: {  	v51 =	vsub.f32 v34, v26;
	v48 =	vsub.f32 v39, v27;
	v6 =	vld [tilespmem:s17+$0x730]  }
0x6e: {  	v58 =	vsub.f32 v41, v22;
	v34 =	vsub.f32 v45, v24;
	v39 =	vld [tilespmem:s17+$0x770]  }
0x6f: {  	v54 =	vmov v7;
	v52 =	vsub.f32 v47, v25;
	v60 =	vsub.f32 v50, v29;
	v7 =	vld [tilespmem:s17+$0x780]  }
0x70: {  	v62 =	vsub.f32 v2, v28;
	v61 =	vsub.f32 v3, v30;
	v41 =	vld [tilespmem:s17+$0x7C0]  }
0x71: {  	s19 =	simm.s32 $0x2000;
	v55 =	vmov v4;
	v50 =	vld [tilespmem:s18+$0x0];
	v47 =	vsub.f32 v9, v20;
	v45 =	vsub.f32 v53, v21  }
.LBB2_3:
0x72: {  	v3 =	vsub.f32 v40, v13;
	_ =	sdelay $0x1  }
0x73: {  	[tilespmem:$0x1FF50] =	vst v3;
	v3 =	vsub.f32 v38, v12;
	_ =	sdelay $0x1  }
0x74: {  	v53 =	vld [tilespmem:s17+$0x790];
	[tilespmem:$0x1FF60] =	vst v3;
	v3 =	vsub.f32 v10, v63  }
0x75: {  	v9 =	vld [tilespmem:s17+$0x7A0];
	[tilespmem:$0x1FFB0] =	vst v6;
	v2 =	vsub.f32 v44, v18;
	v40 =	vand.u32 $0x1, v50  }
0x76: {  	v44 =	vsub.f32 v43, v16;
	v43 =	vld [tilespmem:s17+$0x7D0];
	v10 =	vcvt.s32.f32 v40;
	[tilespmem:$0x1FF70] =	vst v3;
	v3 =	vsub.f32 v32, v59  }
0x77: {  	[tilespmem:$0x1FFC0] =	vst v7;
	v37 =	vsub.f32 v37, v11;
	v4 =	vsub.f32 v36, v5;
	v38 =	vld [tilespmem:s17+$0x7E0]  }
0x78: {  	v39 =	vsub.f32 v39, v6;
	v36 =	vbroadcast v10, $0x0;
	[tilespmem:$0x1FF80] =	vst v3;
	v3 =	vsub.f32 v35, v56  }
0x79: {  	v50 =	vmovc v11;
	v11 =	vld [tilespmem:s17+$0x7B0];
	v41 =	vsub.f32 v41, v7;
	[tilespmem:$0x1FFA0] =	vst v4;
	v4 =	vbroadcast v10, $0x1;
	v6 =	vbroadcast v10, $0x2  }
0x7a: {  	v40 =	vsub.f32 v33, v57;
	v7 =	vbroadcast v10, $0x3;
	v49 =	vmul.f32 v49, v36;
	[tilespmem:$0x1FF90] =	vst v3;
	v3 =	vld [tilespmem:s17+$0x7F0]  }
0x7b: {  	[tilespmem:$0x1FFD0] =	vst v53;
	v33 =	vld [tilespmem:s17+$0x800];
	v43 =	vsub.f32 v43, v53;
	v53 =	vmul.f32 v1, v36;
	v0 =	vmul.f32 v0, v36  }
0x7c: {  	v32 =	vmovc v5;
	v5 =	vld [tilespmem:s17+$0x840];
	v1 =	vsub.f32 v38, v9;
	v8 =	vmul.f32 v8, v36;
	v51 =	vmul.f32 v51, v4  }
0x7d: {  	v35 =	vld [tilespmem:s17+$0x810];
	v58 =	vmul.f32 v58, v4;
	v2 =	vmul.f32 v2, v7;
	v0 =	vadd.f32 v0, v17  }
0x7e: {  	[tilespmem:$0x1FFE0] =	vst v9;
	v9 =	vld [tilespmem:s17+$0x850];
	v8 =	vadd.f32 v8, v23;
	v17 =	vmul.f32 v48, v4;
	v26 =	vadd.f32 v51, v26  }
0x7f: {  	v36 =	vld [tilespmem:s17+$0x820];
	v4 =	vmul.f32 v34, v4;
	v38 =	vsub.f32 v3, v11;
	v3 =	vadd.f32 v49, v55  }
0x80: {  	v23 =	vld [tilespmem:s17+$0x830];
	v51 =	vmul.f32 v52, v6;
	v8 =	vmul.f32 $8.000000000e+00, v8;
	v27 =	vadd.f32 v17, v27  }
0x81: {  	[tilespmem:$0x1FFF0] =	vst v11;
	v34 =	vmul.f32 v60, v6;
	v60 =	vld [tilespmem:s17+$0x8F0];
	v3 =	vmul.f32 $8.000000000e+00, v3  }
0x82: {  	v2 =	vadd.f32 v2, v18;
	v18 =	vld [tilespmem:s17+$0x920];
	v4 =	vadd.f32 v4, v24;
	v27 =	vmul.f32 $8.000000000e+00, v27;
	[tilespmem:s17+$0xCC30] =	vst v8  }
0x83: {  	v17 =	vld [tilespmem:s17+$0x880];
	v48 =	vsub.f32 v9, v35;
	v9 =	vadd.f32 v58, v22;
	[tilespmem:s17+$0xCC00] =	vst v3;
	v3 =	vmul.f32 $8.000000000e+00, v26  }
0x84: {  	v24 =	vadd.f32 v34, v29;
	v34 =	vld [tilespmem:s17+$0x8E0];
	v8 =	vmul.f32 v62, v6;
	v4 =	vmul.f32 $8.000000000e+00, v4;
	[tilespmem:s17+$0xCC90] =	vst v27  }
0x85: {  	v58 =	vld [tilespmem:s17+$0x8D0];
	[tilespmem:s17+$0xCC80] =	vst v3;
	v3 =	vmul.f32 $8.000000000e+00, v9;
	v9 =	vadd.f32 v51, v25  }
0x86: {  	v22 =	vld [tilespmem:s17+$0x8A0];
	v55 =	vmul.f32 $8.000000000e+00, v0;
	v8 =	vadd.f32 v8, v28;
	[tilespmem:s17+$0xCCB0] =	vst v4  }
0x87: {  	v6 =	vmul.f32 v61, v6;
	v49 =	vadd.f32 v53, v54;
	v53 =	vld [tilespmem:s17+$0x860];
	[tilespmem:s17+$0xCCA0] =	vst v3;
	v3 =	vmul.f32 $8.000000000e+00, v9  }
0x88: {  	v0 =	vsub.f32 v5, v33;
	[tilespmem:s17+$0xCC20] =	vst v55;
	v4 =	vmul.f32 $8.000000000e+00, v8;
	v8 =	vmul.f32 v45, v7;
	v26 =	vld [tilespmem:s17+$0x890]  }
0x89: {  	v5 =	vld [tilespmem:s17+$0x8C0];
	v6 =	vadd.f32 v6, v30;
	v54 =	vmul.f32 $8.000000000e+00, v49;
	[tilespmem:s17+$0xCD00] =	vst v3;
	v3 =	vmul.f32 v47, v7  }
0x8a: {  	v46 =	vsub.f32 v46, v19;
	v11 =	vld [tilespmem:$0x1FF50];
	[tilespmem:s17+$0xCD20] =	vst v4;
	v4 =	vadd.f32 v8, v21;
	v9 =	vmul.f32 $8.000000000e+00, v24  }
0x8b: {  	v42 =	vsub.f32 v42, v15;
	v27 =	vld [tilespmem:s17+$0x8B0];
	v6 =	vmul.f32 $8.000000000e+00, v6;
	[tilespmem:s17+$0xCC10] =	vst v54;
	v3 =	vadd.f32 v3, v20  }
0x8c: {  	s20 =	sshra.s32 s19, $0x2;
	v31 =	vsub.f32 v31, v14;
	v49 =	vld [tilespmem:s17+$0x870];
	v4 =	vmul.f32 $8.000000000e+00, v4;
	[tilespmem:s17+$0xCD10] =	vst v9;
	v9 =	vbroadcast v10, $0x4  }
0x8d: {  	v29 =	vsub.f32 v58, v26;
	v7 =	vmul.f32 v46, v7;
	v58 =	vld [tilespmem:s20+$0x400];
	[tilespmem:s17+$0xCD30] =	vst v6;
	v3 =	vmul.f32 $8.000000000e+00, v3  }
0x8e: {  	v8 =	vld [tilespmem:s20+$0x440];
	v61 =	vmul.f32 v42, v9;
	[tilespmem:s17+$0xCD90] =	vst v4;
	v4 =	vmul.f32 v31, v9  }
0x8f: {  	v6 =	vadd.f32 v7, v19;
	[tilespmem:s17+$0xCD80] =	vst v3;
	v3 =	vmul.f32 v44, v9;
	v9 =	vmul.f32 v11, v9;
	v11 =	vld [tilespmem:$0x1FF60]  }
0x90: {  	v2 =	vmul.f32 $8.000000000e+00, v2;
	v28 =	vsub.f32 v5, v17;
	v5 =	vld [tilespmem:s17+$0x940]  }
0x91: {  	v30 =	vsub.f32 v53, v36;
	v53 =	vld [tilespmem:s17+$0xAD0];
	v7 =	vbroadcast v10, $0x5;
	v6 =	vmul.f32 $8.000000000e+00, v6  }
0x92: {  	v25 =	vld [tilespmem:s17+$0x900];
	[tilespmem:s17+$0xCDA0] =	vst v2;
	v2 =	vadd.f32 v3, v16  }
0x93: {  	v19 =	vld [tilespmem:s17+$0x930];
	[tilespmem:s17+$0xCDB0] =	vst v6;
	v3 =	vadd.f32 v61, v15;
	v6 =	vadd.f32 v9, v13;
	v9 =	vmul.f32 v37, v7  }
0x94: {  	v15 =	vmul.f32 v11, v7;
	v11 =	vld [tilespmem:$0x1FF70]  }
0x95: {  	v16 =	vld [tilespmem:s17+$0x970];
	v3 =	vmul.f32 $8.000000000e+00, v3;
	v9 =	vadd.f32 v9, v50  }
0x96: {  	v24 =	vld [tilespmem:s17+$0x910];
	v4 =	vadd.f32 v4, v14  }
0x97: {  	[tilespmem:s17+$0xCE10] =	vst v3;
	v3 =	vmul.f32 $8.000000000e+00, v9;
	v9 =	vld [tilespmem:$0x1FF80]  }
0x98: {  	v46 =	vld [tilespmem:s17+$0x9E0];
	v21 =	vsub.f32 v5, v25;
	v4 =	vmul.f32 $8.000000000e+00, v4  }
0x99: {  	v5 =	vld [tilespmem:s17+$0x960];
	v2 =	vmul.f32 $8.000000000e+00, v2;
	v14 =	vadd.f32 v15, v12;
	v62 =	vmul.f32 v11, v7  }
0x9a: {  	v20 =	vld [tilespmem:s17+$0x950];
	[tilespmem:s17+$0xCE20] =	vst v4;
	v15 =	vsub.f32 v16, v19  }
0x9b: {  	v31 =	vld [tilespmem:s17+$0x9C0];
	[tilespmem:s17+$0xCE00] =	vst v2;
	v16 =	vbroadcast v10, $0x6;
	v2 =	vmul.f32 $8.000000000e+00, v14;
	v4 =	vadd.f32 v62, v63  }
0x9c: {  	v44 =	vld [tilespmem:s17+$0xA70];
	v6 =	vmul.f32 $8.000000000e+00, v6;
	v7 =	vmul.f32 v9, v7  }
0x9d: {  	v13 =	vld [tilespmem:s17+$0x980];
	[tilespmem:s17+$0xCE80] =	vst v2;
	v2 =	vmul.f32 $8.000000000e+00, v4;
	v4 =	vmul.f32 v40, v16  }
0x9e: {  	[tilespmem:s17+$0xCE30] =	vst v6;
	v12 =	vld [tilespmem:s17+$0x990];
	v6 =	vadd.f32 v7, v59  }
0x9f: {  	v14 =	vsub.f32 v5, v18;
	v5 =	vld [tilespmem:s17+$0x9D0];
	[tilespmem:s17+$0xCEA0] =	vst v2;
	v2 =	vadd.f32 v4, v57  }
0xa0: {  	[tilespmem:s17+$0xCE90] =	vst v3;
	v3 =	vmul.f32 $8.000000000e+00, v6;
	v6 =	vld [tilespmem:$0x1FF90]  }
0xa1: {  	v59 =	vmul.f32 $8.000000000e+00, v2;
	v2 =	vld [tilespmem:$0x1FFB0]  }
0xa2: {  	v4 =	vld [tilespmem:$0x1FFA0]  }
0xa3: {  	v51 =	vsub.f32 v49, v23;
	v11 =	vld [tilespmem:s17+$0x9A0]  }
0xa4: {  	v49 =	vbroadcast v10, $0x8;
	v9 =	vld [tilespmem:s17+$0x9B0];
	v42 =	vsub.f32 v5, v12;
	v5 =	vmul.f32 v39, v16  }
0xa5: {  	v7 =	vld [tilespmem:s17+$0xA00]  }
0xa6: {  	v0 =	vmul.f32 v0, v49;
	v37 =	vbroadcast v10, $0x7;
	v5 =	vadd.f32 v5, v2;
	v2 =	vld [tilespmem:$0x1FFC0]  }
0xa7: {  	v6 =	vmul.f32 v6, v16;
	v4 =	vmul.f32 v4, v16;
	v16 =	vld [tilespmem:s17+$0xA40]  }
0xa8: {  	v0 =	vadd.f32 v0, v33;
	v40 =	vld [tilespmem:s17+$0x9F0]  }
0xa9: {  	v45 =	vsub.f32 v34, v22;
	v34 =	vmul.f32 v41, v37;
	[tilespmem:s17+$0xCEB0] =	vst v3;
	v3 =	vld [tilespmem:s17+$0xA10]  }
0xaa: {  	v47 =	vsub.f32 v60, v27;
	v0 =	vmul.f32 $8.000000000e+00, v0;
	v6 =	vadd.f32 v6, v56;
	v56 =	vld [tilespmem:s17+$0xA50]  }
0xab: {  	v50 =	vbroadcast v10, $0x9;
	v1 =	vmul.f32 v1, v37;
	v39 =	vadd.f32 v34, v2;
	v2 =	vld [tilespmem:$0x1FFD0]  }
0xac: {  	v57 =	vmul.f32 v43, v37;
	v37 =	vmul.f32 v38, v37;
	v38 =	vsub.f32 v16, v7;
	v16 =	vld [tilespmem:$0x1FFE0]  }
0xad: {  	v20 =	vsub.f32 v20, v24;
	v61 =	vld [tilespmem:s17+$0xA60];
	v28 =	vmul.f32 v28, v50;
	v54 =	vmul.f32 v29, v50  }
0xae: {  	v29 =	vld [tilespmem:s17+$0xAA0];
	v31 =	vsub.f32 v31, v13;
	v63 =	vmul.f32 v30, v49;
	v43 =	vsub.f32 v46, v11  }
0xaf: {  	v60 =	vld [tilespmem:s20+$0x410];
	v40 =	vsub.f32 v40, v9;
	v4 =	vadd.f32 v4, v32;
	v6 =	vmul.f32 $8.000000000e+00, v6  }
0xb0: {  	v5 =	vmul.f32 $8.000000000e+00, v5;
	v62 =	vsub.f32 v56, v3;
	v57 =	vadd.f32 v57, v2;
	v2 =	vld [tilespmem:s20+$0x450];
	[tilespmem:s17+$0xCF00] =	vst v59  }
0xb1: {  	v56 =	vmul.f32 v47, v50;
	v39 =	vmul.f32 $8.000000000e+00, v39;
	v1 =	vadd.f32 v1, v16;
	v16 =	vld [tilespmem:$0x1FFF0];
	[tilespmem:s17+$0xCF10] =	vst v6  }
0xb2: {  	v30 =	vld [tilespmem:s17+$0xA80];
	v32 =	vadd.f32 v63, v36;
	v59 =	vmul.f32 $8.000000000e+00, v4;
	[tilespmem:s17+$0xCF30] =	vst v5;
	v5 =	vmul.f32 v48, v49  }
0xb3: {  	v4 =	vld [tilespmem:s17+$0xA20];
	v48 =	vmul.f32 v51, v49;
	v1 =	vmul.f32 $8.000000000e+00, v1;
	[tilespmem:s17+$0xD000] =	vst v0;
	v0 =	vadd.f32 v28, v17  }
0xb4: {  	v6 =	vld [tilespmem:s17+$0xA30];
	v17 =	vmul.f32 v45, v50;
	v34 =	vmul.f32 $8.000000000e+00, v57;
	[tilespmem:s17+$0xCF20] =	vst v59;
	v5 =	vadd.f32 v5, v35  }
0xb5: {  	v51 =	vld [tilespmem:s17+$0xAC0];
	v23 =	vadd.f32 v48, v23;
	[tilespmem:s17+$0xCFA0] =	vst v1;
	v1 =	vmul.f32 $8.000000000e+00, v32;
	v59 =	vbroadcast v10, $0xB  }
0xb6: {  	v28 =	vld [tilespmem:s17+$0xAB0];
	v0 =	vmul.f32 $8.000000000e+00, v0;
	v16 =	vadd.f32 v37, v16;
	v5 =	vmul.f32 $8.000000000e+00, v5  }
0xb7: {  	v57 =	vld [tilespmem:s17+$0xAE0];
	v23 =	vmul.f32 $8.000000000e+00, v23;
	[tilespmem:s17+$0xD020] =	vst v1;
	v1 =	vadd.f32 v17, v22;
	v17 =	vadd.f32 v56, v27  }
0xb8: {  	v22 =	vld [tilespmem:s17+$0xAF0];
	v49 =	vmul.f32 $8.000000000e+00, v16;
	[tilespmem:s17+$0xD010] =	vst v5;
	v5 =	vadd.f32 v54, v26;
	v26 =	vbroadcast v10, $0xA  }
0xb9: {  	[tilespmem:s17+$0xD080] =	vst v0;
	v16 =	vld [tilespmem:s17+$0xA90];
	v52 =	vsub.f32 v61, v4;
	v0 =	vmul.f32 $8.000000000e+00, v1;
	v1 =	vmul.f32 $8.000000000e+00, v17  }
0xba: {  	v55 =	vsub.f32 v44, v6;
	[tilespmem:s17+$0xD030] =	vst v23;
	v17 =	vld [tilespmem:s17+$0xB40];
	v5 =	vmul.f32 $8.000000000e+00, v5;
	v23 =	vmul.f32 v21, v26  }
0xbb: {  	v27 =	vsub.f32 v51, v30;
	v21 =	vld [tilespmem:s17+$0xB00];
	v14 =	vmul.f32 v14, v26;
	[tilespmem:s17+$0xD0A0] =	vst v0;
	v0 =	vmul.f32 v15, v26  }
0xbc: {  	v20 =	vmul.f32 v20, v26;
	v15 =	vmul.f32 v31, v59;
	v26 =	vld [tilespmem:s17+$0xB50];
	[tilespmem:s17+$0xD090] =	vst v5;
	v5 =	vadd.f32 v23, v25  }
0xbd: {  	[tilespmem:s17+$0xCF80] =	vst v39;
	v25 =	vld [tilespmem:s17+$0xB10];
	v14 =	vadd.f32 v14, v18;
	v0 =	vadd.f32 v0, v19  }
0xbe: {  	[tilespmem:s17+$0xD0B0] =	vst v1;
	v18 =	vld [tilespmem:s17+$0xB20];
	v13 =	vadd.f32 v15, v13;
	v1 =	vmul.f32 $8.000000000e+00, v5;
	v5 =	vadd.f32 v20, v24  }
0xbf: {  	[tilespmem:s17+$0xCF90] =	vst v34;
	v33 =	vsub.f32 v53, v16;
	v15 =	vmul.f32 v42, v59;
	v19 =	vld [tilespmem:s17+$0xB60];
	v0 =	vmul.f32 $8.000000000e+00, v0  }
0xc0: {  	v23 =	vsub.f32 v57, v29;
	v20 =	vld [tilespmem:s17+$0xB30];
	v13 =	vmul.f32 $8.000000000e+00, v13;
	[tilespmem:s17+$0xD100] =	vst v1;
	v1 =	vmul.f32 $8.000000000e+00, v5  }
0xc1: {  	[tilespmem:s17+$0xCFB0] =	vst v49;
	v12 =	vadd.f32 v15, v12;
	v15 =	vld [tilespmem:s17+$0xB70];
	v24 =	vsub.f32 v17, v21;
	v5 =	vmul.f32 $8.000000000e+00, v14  }
0xc2: {  	v31 =	vld [tilespmem:s17+$0xB80];
	v14 =	vsub.f32 v22, v28;
	v22 =	vmul.f32 v40, v59;
	[tilespmem:s17+$0xD110] =	vst v1;
	v1 =	vmul.f32 v43, v59  }
0xc3: {  	v61 =	vsub.f32 v26, v25;
	v26 =	vld [tilespmem:s17+$0xBC0];
	[tilespmem:s17+$0xD120] =	vst v5;
	v5 =	vmul.f32 $8.000000000e+00, v12;
	v12 =	vbroadcast v10, $0xC  }
0xc4: {  	v17 =	vld [tilespmem:s20+$0x420];
	[tilespmem:s17+$0xD130] =	vst v0;
	v0 =	vadd.f32 v1, v11;
	v1 =	vadd.f32 v22, v9;
	v9 =	vbroadcast v10, $0xD  }
0xc5: {  	v19 =	vsub.f32 v19, v18;
	[tilespmem:s17+$0xD180] =	vst v13;
	v11 =	vmul.f32 v38, v12;
	v13 =	vmul.f32 v62, v12;
	v62 =	vld [tilespmem:s17+$0xB90]  }
0xc6: {  	v15 =	vsub.f32 v15, v20;
	v22 =	vld [tilespmem:s17+$0xBD0];
	v0 =	vmul.f32 $8.000000000e+00, v0;
	v1 =	vmul.f32 $8.000000000e+00, v1  }
0xc7: {  	v63 =	vld [tilespmem:s17+$0xBA0];
	[tilespmem:s17+$0xD190] =	vst v5;
	v7 =	vadd.f32 v11, v7;
	v3 =	vadd.f32 v13, v3;
	v11 =	vmul.f32 v52, v12  }
0xc8: {  	v48 =	vld [tilespmem:s20+$0x460];
	v13 =	vsub.f32 v26, v31;
	[tilespmem:s17+$0xD1A0] =	vst v0;
	v0 =	vmul.f32 v55, v12;
	v12 =	vmul.f32 v27, v9  }
0xc9: {  	[tilespmem:s17+$0xD1B0] =	vst v1;
	v1 =	vmul.f32 $8.000000000e+00, v7;
	v3 =	vmul.f32 $8.000000000e+00, v3;
	v4 =	vadd.f32 v11, v4;
	v7 =	vld [tilespmem:s17+$0xBE0]  }
0xca: {  	v11 =	vmul.f32 v33, v9;
	v0 =	vadd.f32 v0, v6;
	v6 =	vadd.f32 v12, v30;
	v12 =	vld [tilespmem:s17+$0xBB0]  }
0xcb: {  	[tilespmem:s17+$0xD200] =	vst v1;
	v1 =	vmul.f32 $8.000000000e+00, v4;
	v4 =	vmul.f32 v23, v9;
	v30 =	vsub.f32 v22, v62;
	v22 =	vld [tilespmem:s17+$0xBF0]  }
0xcc: {  	v11 =	vadd.f32 v11, v16;
	v23 =	vld [tilespmem:s20+$0x430];
	[tilespmem:s17+$0xD210] =	vst v3;
	v0 =	vmul.f32 $8.000000000e+00, v0;
	v3 =	vmul.f32 $8.000000000e+00, v6  }
0xcd: {  	v6 =	vld [tilespmem:s20+$0x470];
	[tilespmem:s17+$0xD220] =	vst v1;
	v1 =	vadd.f32 v4, v29;
	v4 =	vmul.f32 v14, v9;
	v9 =	vbroadcast v10, $0xE  }
0xce: {  	v10 =	vbroadcast v10, $0xF;
	v26 =	vld [tilespmem:s20+$0x480];
	v7 =	vsub.f32 v7, v63;
	[tilespmem:s17+$0xD230] =	vst v0;
	v0 =	vmul.f32 $8.000000000e+00, v11  }
0xcf: {  	v1 =	vmul.f32 $8.000000000e+00, v1;
	v34 =	vld [tilespmem:s20+$0x4C0];
	[tilespmem:s17+$0xD280] =	vst v3;
	v3 =	vadd.f32 v4, v28;
	v4 =	vmul.f32 v24, v9  }
0xd0: {  	v11 =	vmul.f32 v19, v9;
	v14 =	vsub.f32 v22, v12;
	v27 =	vld [tilespmem:s20+$0x490];
	[tilespmem:s17+$0xD290] =	vst v0;
	v0 =	vmul.f32 v61, v9  }
0xd1: {  	v39 =	vld [tilespmem:s20+$0x4D0];
	[tilespmem:s17+$0xD2A0] =	vst v1;
	v1 =	vmul.f32 $8.000000000e+00, v3;
	v3 =	vadd.f32 v4, v21;
	v4 =	vmul.f32 v15, v9  }
0xd2: {  	v9 =	vadd.f32 v11, v18;
	v11 =	vmul.f32 v13, v10;
	v22 =	vld [tilespmem:s20+$0x4A0];
	v0 =	vadd.f32 v0, v25  }
0xd3: {  	v41 =	vld [tilespmem:s20+$0x4E0];
	[tilespmem:s17+$0xD2B0] =	vst v1;
	v1 =	vmul.f32 $8.000000000e+00, v3;
	v3 =	vadd.f32 v4, v20;
	v4 =	vmul.f32 v30, v10  }
0xd4: {  	v9 =	vmul.f32 $8.000000000e+00, v9;
	v11 =	vadd.f32 v11, v31;
	v24 =	vld [tilespmem:s20+$0x4B0];
	v0 =	vmul.f32 $8.000000000e+00, v0  }
0xd5: {  	v45 =	vld [tilespmem:s20+$0x4F0];
	[tilespmem:s17+$0xD300] =	vst v1;
	v1 =	vmul.f32 $8.000000000e+00, v3;
	v3 =	vadd.f32 v4, v62;
	v4 =	vmul.f32 v7, v10  }
0xd6: {  	v7 =	vmul.f32 v14, v10;
	v25 =	vld [tilespmem:s20+$0x500];
	[tilespmem:s17+$0xD310] =	vst v0  }
0xd7: {  	v0 =	vmul.f32 $8.000000000e+00, v11;
	v47 =	vld [tilespmem:s20+$0x540];
	[tilespmem:s17+$0xD320] =	vst v9;
	v4 =	vadd.f32 v4, v63  }
0xd8: {  	v3 =	vmul.f32 $8.000000000e+00, v3;
	v29 =	vld [tilespmem:s20+$0x510];
	[tilespmem:s17+$0xD330] =	vst v1;
	v1 =	vadd.f32 v7, v12  }
0xd9: {  	v7 =	vld [tilespmem:s20+$0x550];
	[tilespmem:s17+$0xD380] =	vst v0;
	v0 =	vmul.f32 $8.000000000e+00, v4  }
0xda: {  	v28 =	vld [tilespmem:s20+$0x520];
	[tilespmem:s17+$0xD390] =	vst v3;
	v1 =	vmul.f32 $8.000000000e+00, v1  }
0xdb: {  	v3 =	vld [tilespmem:s20+$0x560];
	[tilespmem:s17+$0xD3A0] =	vst v0  }
0xdc: {  	v30 =	vld [tilespmem:s20+$0x530];
	[tilespmem:s17+$0xD3B0] =	vst v1;
	s17 =	smov.u32 s20  }
0xdd: {  	v4 =	vld [tilespmem:s17+$0x570]  }
0xde: {  	v20 =	vld [tilespmem:s17+$0x580]  }
0xdf: {  	v9 =	vld [tilespmem:s17+$0x5C0]  }
0xe0: {  	v21 =	vld [tilespmem:s17+$0x590]  }
0xe1: {  	v53 =	vld [tilespmem:s17+$0x5D0]  }
0xe2: {  	v18 =	vld [tilespmem:s17+$0x5A0]  }
0xe3: {  	v44 =	vld [tilespmem:s17+$0x5E0]  }
0xe4: {  	v19 =	vld [tilespmem:s17+$0x5B0]  }
0xe5: {  	v46 =	vld [tilespmem:s17+$0x5F0]  }
0xe6: {  	v16 =	vld [tilespmem:s17+$0x600]  }
0xe7: {  	v43 =	vld [tilespmem:s17+$0x640]  }
0xe8: {  	v15 =	vld [tilespmem:s17+$0x610]  }
0xe9: {  	v42 =	vld [tilespmem:s17+$0x650]  }
0xea: {  	v14 =	vld [tilespmem:s17+$0x620]  }
0xeb: {  	v31 =	vld [tilespmem:s17+$0x660]  }
0xec: {  	v13 =	vld [tilespmem:s17+$0x630]  }
0xed: {  	v40 =	vld [tilespmem:s17+$0x670]  }
0xee: {  	v12 =	vld [tilespmem:s17+$0x680]  }
0xef: {  	v38 =	vld [tilespmem:s17+$0x6C0]  }
0xf0: {  	v11 =	vld [tilespmem:s17+$0x690]  }
0xf1: {  	v37 =	vld [tilespmem:s17+$0x6D0]  }
0xf2: {  	v63 =	vld [tilespmem:s17+$0x6A0]  }
0xf3: {  	v10 =	vld [tilespmem:s17+$0x6E0]  }
0xf4: {  	v59 =	vld [tilespmem:s17+$0x6B0]  }
0xf5: {  	v32 =	vld [tilespmem:s17+$0x6F0]  }
0xf6: {  	v57 =	vld [tilespmem:s17+$0x700]  }
0xf7: {  	v33 =	vld [tilespmem:s17+$0x740]  }
0xf8: {  	v56 =	vld [tilespmem:s17+$0x710]  }
0xf9: {  	v35 =	vld [tilespmem:s17+$0x750]  }
0xfa: {  	v49 =	vsub.f32 v8, v58;
	v8 =	vsub.f32 v6, v23;
	v5 =	vld [tilespmem:s17+$0x720]  }
0xfb: {  	p0 =	sne.s32 s19, $0x30000;
	v55 =	vmov v58;
	v51 =	vsub.f32 v34, v26;
	v58 =	vsub.f32 v41, v22;
	v36 =	vld [tilespmem:s17+$0x760]  }
.Ltmp0:
0xfc: {  	v34 =	vsub.f32 v45, v24;
	v0 =	vsub.f32 v48, v17;
	v6 =	vld [tilespmem:s17+$0x730];
	(pc) =	sbr.rel @p0 .LBB2_3-.Ltmp0, $4  }
0xfd: {  	v48 =	vsub.f32 v39, v27;
	v1 =	vsub.f32 v2, v60;
	v39 =	vld [tilespmem:s17+$0x770]  }
0xfe: {  	s18 =	sadd.s32 $0x10, s18;
	v54 =	vmov v60;
	v52 =	vsub.f32 v47, v25;
	v41 =	vld [tilespmem:s17+$0x7C0];
	v60 =	vsub.f32 v7, v29  }
0xff: {  	v50 =	vld [tilespmem:s18+$0x0];
	v62 =	vsub.f32 v3, v28;
	v61 =	vsub.f32 v4, v30  }
0x100: {  	s19 =	sadd.s32 $0x2000, s19;
	v7 =	vld [tilespmem:s17+$0x780];
	v47 =	vsub.f32 v9, v20;
	v45 =	vsub.f32 v53, v21  }
0x101: {  	v4 =	vld [tilespmem:s17+$0x7E0]  }
0x102: {  	v3 =	vld [tilespmem:s17+$0x7B0];
	_ =	sdelay $0x3  }
0x103: {  	[tilespmem:$0x1FEC0] =	vst v4;
	v4 =	vld [tilespmem:s17+$0x7F0]  }
0x104: {  	[tilespmem:$0x1FED0] =	vst v3;
	v3 =	vld [tilespmem:s17+$0x840];
	_ =	sdelay $0x2  }
0x105: {  	v2 =	vld [tilespmem:s17+$0x7D0]  }
0x106: {  	[tilespmem:$0x1FEE0] =	vst v4;
	v4 =	vld [tilespmem:s17+$0x800]  }
0x107: {  	v50 =	vand.u32 $0x1, v50;
	[tilespmem:$0x1FF00] =	vst v3;
	v3 =	vld [tilespmem:s17+$0x810]  }
0x108: {  	v50 =	vcvt.s32.f32 v50;
	_ =	sdelay $0x1  }
0x109: {  	[tilespmem:$0x1FEB0] =	vst v2;
	v2 =	vbroadcast v50, $0x0  }
0x10a: {  	[tilespmem:$0x1FEF0] =	vst v4;
	v4 =	vld [tilespmem:s17+$0x850]  }
0x10b: {  	[tilespmem:$0x1FF10] =	vst v3;
	v3 =	vmul.f32 v49, v2;
	_ =	sdelay $0x1  }
0x10c: {  	v1 =	vmul.f32 v1, v2;
	v3 =	vadd.f32 v3, v55  }
0x10d: {  	v0 =	vmul.f32 v0, v2;
	v2 =	vmul.f32 v8, v2  }
0x10e: {  	v3 =	vmul.f32 $8.000000000e+00, v3;
	[tilespmem:$0x1FF20] =	vst v4;
	v4 =	vadd.f32 v1, v54  }
0x10f: {  	v2 =	vadd.f32 v2, v23  }
0x110: {  	v0 =	vadd.f32 v0, v17;
	[tilespmem:s17+$0xCC00] =	vst v3;
	v3 =	vmul.f32 $8.000000000e+00, v4;
	v4 =	vbroadcast v50, $0x1  }
0x111: {  	v17 =	vld [tilespmem:s17+$0x8C0];
	v8 =	vbroadcast v50, $0x2;
	v2 =	vmul.f32 $8.000000000e+00, v2  }
0x112: {  	v0 =	vmul.f32 $8.000000000e+00, v0;
	v55 =	vld [tilespmem:s17+$0x860];
	v23 =	vmul.f32 v51, v4  }
0x113: {  	v9 =	vld [tilespmem:s17+$0x790];
	[tilespmem:s17+$0xCC30] =	vst v2;
	v2 =	vmul.f32 v61, v8;
	v48 =	vmul.f32 v48, v4  }
0x114: {  	v53 =	vld [tilespmem:s17+$0x7A0];
	[tilespmem:s17+$0xCC10] =	vst v3;
	v58 =	vmul.f32 v58, v4;
	v4 =	vmul.f32 v34, v4;
	v3 =	vadd.f32 v23, v26  }
0x115: {  	[tilespmem:s17+$0xCC20] =	vst v0;
	v49 =	vld [tilespmem:s17+$0x820];
	v34 =	vmul.f32 v52, v8;
	v52 =	vbroadcast v50, $0x3;
	v0 =	vadd.f32 v48, v27  }
0x116: {  	[tilespmem:$0x1FF40] =	vst v17;
	v17 =	vld [tilespmem:s17+$0x890];
	v4 =	vadd.f32 v4, v24;
	v51 =	vmul.f32 $8.000000000e+00, v3;
	v3 =	vadd.f32 v58, v22  }
0x117: {  	v54 =	vld [tilespmem:s17+$0x870];
	[tilespmem:$0x1FF30] =	vst v55;
	v48 =	vmul.f32 v60, v8;
	v0 =	vmul.f32 $8.000000000e+00, v0  }
0x118: {  	v1 =	vld [tilespmem:s17+$0x880];
	v4 =	vmul.f32 $8.000000000e+00, v4;
	v58 =	vadd.f32 v2, v30;
	[tilespmem:s17+$0xCC80] =	vst v51;
	v3 =	vmul.f32 $8.000000000e+00, v3  }
0x119: {  	v55 =	vld [tilespmem:s17+$0x830];
	[tilespmem:s17+$0xCC90] =	vst v0;
	v0 =	vadd.f32 v34, v25;
	v51 =	vmul.f32 v62, v8;
	v62 =	vmul.f32 v47, v52  }
0x11a: {  	v26 =	vld [tilespmem:s17+$0x8D0];
	v34 =	vsub.f32 v44, v18;
	[tilespmem:s17+$0xCCA0] =	vst v3;
	v3 =	vadd.f32 v48, v29  }
0x11b: {  	v23 =	vld [tilespmem:s17+$0x8A0];
	[tilespmem:s17+$0xCCB0] =	vst v4;
	v0 =	vmul.f32 $8.000000000e+00, v0;
	v4 =	vadd.f32 v51, v28;
	v30 =	vadd.f32 v62, v20  }
0x11c: {  	v27 =	vld [tilespmem:s17+$0x8E0];
	v29 =	vmul.f32 v45, v52;
	v45 =	vsub.f32 v46, v19;
	v48 =	vsub.f32 v43, v16  }
0x11d: {  	v60 =	vld [tilespmem:s17+$0x8F0];
	v51 =	vbroadcast v50, $0x4;
	v62 =	vsub.f32 v38, v12;
	v3 =	vmul.f32 $8.000000000e+00, v3  }
0x11e: {  	v24 =	vld [tilespmem:s17+$0x900];
	v38 =	vsub.f32 v10, v63;
	[tilespmem:s17+$0xCD00] =	vst v0;
	v61 =	vmul.f32 $8.000000000e+00, v4;
	v0 =	vmul.f32 $8.000000000e+00, v58  }
0x11f: {  	v22 =	vld [tilespmem:s17+$0x8B0];
	v43 =	vsub.f32 v33, v57;
	v4 =	vmul.f32 v34, v52;
	v46 =	vmul.f32 $8.000000000e+00, v30  }
0x120: {  	v25 =	vld [tilespmem:s17+$0x910];
	v47 =	vmul.f32 v45, v52;
	v52 =	vsub.f32 v42, v15;
	v58 =	vsub.f32 v31, v14  }
0x121: {  	v28 =	vld [tilespmem:s17+$0x940];
	v31 =	vbroadcast v50, $0x5;
	v34 =	vsub.f32 v37, v11;
	[tilespmem:s17+$0xCD10] =	vst v3;
	v3 =	vadd.f32 v29, v21  }
0x122: {  	v44 =	vmovc v7;
	v20 =	vld [tilespmem:s17+$0x920];
	v45 =	vbroadcast v50, $0x6;
	[tilespmem:s17+$0xCD20] =	vst v61;
	v4 =	vadd.f32 v4, v18;
	v2 =	vadd.f32 v47, v19  }
0x123: {  	v10 =	vld [tilespmem:s17+$0x9B0];
	[tilespmem:s17+$0xCD30] =	vst v0;
	v0 =	vmul.f32 v48, v51;
	v61 =	vsub.f32 v40, v13;
	v7 =	vmul.f32 v62, v31  }
0x124: {  	v21 =	vld [tilespmem:s17+$0x950];
	v40 =	vsub.f32 v32, v59;
	v47 =	vmul.f32 v43, v45;
	v3 =	vmul.f32 $8.000000000e+00, v3  }
0x125: {  	[tilespmem:s17+$0xCD80] =	vst v46;
	v18 =	vld [tilespmem:s17+$0x930];
	v4 =	vmul.f32 $8.000000000e+00, v4;
	v2 =	vmul.f32 $8.000000000e+00, v2;
	v0 =	vadd.f32 v0, v16  }
0x126: {  	v19 =	vld [tilespmem:s17+$0x970];
	v46 =	vsub.f32 v35, v56;
	v42 =	vmul.f32 v40, v31;
	[tilespmem:s17+$0xCD90] =	vst v3;
	v3 =	vmul.f32 v52, v51  }
0x127: {  	v37 =	vadd.f32 v7, v12;
	v7 =	vld [tilespmem:s17+$0xA00];
	[tilespmem:s17+$0xCDA0] =	vst v4;
	v4 =	vmul.f32 v58, v51;
	v0 =	vmul.f32 $8.000000000e+00, v0  }
0x128: {  	v12 =	vld [tilespmem:s17+$0xA40];
	[tilespmem:s17+$0xCDB0] =	vst v2;
	v2 =	vmul.f32 v61, v51;
	v51 =	vsub.f32 v36, v5;
	v58 =	vsub.f32 v39, v6  }
0x129: {  	v30 =	vld [tilespmem:s17+$0x9C0];
	v52 =	vmul.f32 v46, v45;
	v61 =	vsub.f32 v41, v44;
	v4 =	vadd.f32 v4, v14  }
0x12a: {  	v41 =	vld [tilespmem:$0x1FED0];
	v46 =	vbroadcast v50, $0x8;
	v21 =	vsub.f32 v21, v25;
	v2 =	vadd.f32 v2, v13  }
0x12b: {  	v3 =	vadd.f32 v3, v15;
	[tilespmem:s17+$0xCE00] =	vst v0;
	v0 =	vmul.f32 v34, v31;
	v13 =	vld [tilespmem:s17+$0x9A0];
	v4 =	vmul.f32 $8.000000000e+00, v4  }
0x12c: {  	v19 =	vsub.f32 v19, v18;
	v62 =	vmul.f32 v58, v45;
	v58 =	vld [tilespmem:$0x1FF40];
	v2 =	vmul.f32 $8.000000000e+00, v2  }
0x12d: {  	v48 =	vmovc v5;
	v12 =	vsub.f32 v12, v7;
	v3 =	vmul.f32 $8.000000000e+00, v3;
	v0 =	vadd.f32 v0, v11;
	v11 =	vld [tilespmem:s17+$0x9E0];
	[tilespmem:s17+$0xCE20] =	vst v4  }
0x12e: {  	v5 =	vadd.f32 v62, v6;
	v4 =	vmul.f32 v38, v31;
	[tilespmem:s17+$0xCE30] =	vst v2;
	v2 =	vadd.f32 v42, v59;
	v38 =	vld [tilespmem:$0x1FEC0]  }
0x12f: {  	v62 =	vsub.f32 v26, v17;
	[tilespmem:s17+$0xCE10] =	vst v3;
	v3 =	vmul.f32 $8.000000000e+00, v37;
	v0 =	vmul.f32 $8.000000000e+00, v0;
	v42 =	vld [tilespmem:$0x1FEE0]  }
0x130: {  	v36 =	vld [tilespmem:$0x1FEB0];
	v59 =	vmul.f32 v51, v45;
	v4 =	vadd.f32 v4, v63;
	v2 =	vmul.f32 $8.000000000e+00, v2  }
0x131: {  	v29 =	vld [tilespmem:s17+$0x960];
	v5 =	vmul.f32 $8.000000000e+00, v5;
	[tilespmem:s17+$0xCE90] =	vst v0;
	v0 =	vadd.f32 v47, v57;
	v63 =	vbroadcast v50, $0x7  }
0x132: {  	v51 =	vld [tilespmem:$0x1FF20];
	v11 =	vsub.f32 v11, v13;
	v4 =	vmul.f32 $8.000000000e+00, v4;
	[tilespmem:s17+$0xCEB0] =	vst v2;
	v2 =	vadd.f32 v59, v48  }
0x133: {  	[tilespmem:s17+$0xCF30] =	vst v5;
	v0 =	vmul.f32 $8.000000000e+00, v0;
	v48 =	vld [tilespmem:$0x1FF10];
	v59 =	vsub.f32 v58, v1;
	v39 =	vsub.f32 v38, v53  }
0x134: {  	v34 =	vld [tilespmem:s17+$0x9F0];
	v31 =	vmul.f32 v61, v63;
	v5 =	vsub.f32 v42, v41;
	v42 =	vsub.f32 v28, v24;
	[tilespmem:s17+$0xCEA0] =	vst v4  }
0x135: {  	v43 =	vld [tilespmem:$0x1FEF0];
	v61 =	vbroadcast v50, $0x9;
	v4 =	vadd.f32 v52, v56;
	[tilespmem:s17+$0xCF00] =	vst v0;
	v0 =	vsub.f32 v36, v9  }
0x136: {  	v33 =	vmul.f32 $8.000000000e+00, v2;
	v37 =	vadd.f32 v31, v44;
	v44 =	vld [tilespmem:$0x1FF00];
	v8 =	vmul.f32 v5, v63  }
0x137: {  	v32 =	vld [tilespmem:s17+$0xA50];
	v56 =	vsub.f32 v54, v55;
	v4 =	vmul.f32 $8.000000000e+00, v4;
	v0 =	vmul.f32 v0, v63  }
0x138: {  	v16 =	vld [tilespmem:s17+$0x980];
	[tilespmem:s17+$0xCF20] =	vst v33;
	v40 =	vmul.f32 $8.000000000e+00, v37;
	v33 =	vmul.f32 v39, v63;
	v35 =	vsub.f32 v51, v48  }
0x139: {  	v15 =	vld [tilespmem:s17+$0x990];
	v6 =	vadd.f32 v8, v41;
	v8 =	vmul.f32 v56, v46;
	v56 =	vsub.f32 v34, v10  }
0x13a: {  	v14 =	vld [tilespmem:s17+$0x9D0];
	v51 =	vbroadcast v50, $0xB;
	v0 =	vadd.f32 v0, v9;
	v33 =	vadd.f32 v33, v53  }
0x13b: {  	v53 =	vld [tilespmem:$0x1FF30];
	v45 =	vsub.f32 v44, v43;
	v35 =	vmul.f32 v35, v46;
	v6 =	vmul.f32 $8.000000000e+00, v6  }
0x13c: {  	v26 =	vld [tilespmem:s17+$0xAE0];
	v8 =	vadd.f32 v8, v55;
	v11 =	vmul.f32 v11, v51;
	v9 =	vmul.f32 v56, v51  }
0x13d: {  	v38 =	vld [tilespmem:s17+$0xA90];
	v0 =	vmul.f32 $8.000000000e+00, v0;
	v47 =	vmul.f32 v45, v46;
	v35 =	vadd.f32 v35, v48  }
0x13e: {  	v5 =	vld [tilespmem:s17+$0xA80];
	[tilespmem:s17+$0xCF80] =	vst v40;
	v52 =	vmul.f32 $8.000000000e+00, v33;
	v48 =	vsub.f32 v30, v16;
	v11 =	vadd.f32 v11, v13  }
0x13f: {  	v40 =	vld [tilespmem:s17+$0xAD0];
	v8 =	vmul.f32 $8.000000000e+00, v8;
	v9 =	vadd.f32 v9, v10;
	[tilespmem:s17+$0xCF90] =	vst v0;
	v0 =	vadd.f32 v47, v43  }
0x140: {  	v33 =	vld [tilespmem:s17+$0xAC0];
	v39 =	vsub.f32 v53, v49;
	v35 =	vmul.f32 $8.000000000e+00, v35;
	v43 =	vbroadcast v50, $0xA  }
0x141: {  	v36 =	vld [tilespmem:s17+$0xAA0];
	v63 =	vsub.f32 v27, v23;
	v54 =	vmul.f32 v48, v51;
	v11 =	vmul.f32 $8.000000000e+00, v11  }
0x142: {  	[tilespmem:s17+$0xCE80] =	vst v3;
	v3 =	vld [tilespmem:s17+$0xA10];
	v47 =	vsub.f32 v29, v20;
	v9 =	vmul.f32 $8.000000000e+00, v9;
	v57 =	vmul.f32 v39, v46  }
0x143: {  	v2 =	vld [tilespmem:s17+$0xA20];
	v53 =	vsub.f32 v14, v15;
	v0 =	vmul.f32 $8.000000000e+00, v0;
	v39 =	vmul.f32 v59, v61  }
0x144: {  	v44 =	vld [tilespmem:s17+$0xB40];
	v30 =	vsub.f32 v40, v38;
	v45 =	vmul.f32 v42, v43;
	v21 =	vmul.f32 v21, v43  }
0x145: {  	[tilespmem:s17+$0xD030] =	vst v8;
	v8 =	vld [tilespmem:s17+$0xB00];
	v19 =	vmul.f32 v19, v43;
	v14 =	vadd.f32 v54, v16;
	v29 =	vsub.f32 v33, v5  }
0x146: {  	v31 =	vld [tilespmem:s17+$0xA60];
	[tilespmem:s17+$0xCFB0] =	vst v6;
	v33 =	vsub.f32 v26, v36;
	v42 =	vbroadcast v50, $0xE;
	v6 =	vadd.f32 v57, v49  }
0x147: {  	v37 =	vld [tilespmem:s17+$0xA70];
	[tilespmem:s17+$0xD000] =	vst v0;
	v0 =	vmul.f32 v62, v61;
	v1 =	vadd.f32 v39, v1;
	v39 =	vsub.f32 v60, v22  }
0x148: {  	[tilespmem:s17+$0xCFA0] =	vst v52;
	v52 =	vld [tilespmem:s17+$0xB60];
	v21 =	vadd.f32 v21, v25;
	v60 =	vbroadcast v50, $0xC;
	v14 =	vmul.f32 $8.000000000e+00, v14  }
0x149: {  	v49 =	vld [tilespmem:s17+$0xB20];
	v18 =	vadd.f32 v19, v18;
	v6 =	vmul.f32 $8.000000000e+00, v6;
	v1 =	vmul.f32 $8.000000000e+00, v1  }
0x14a: {  	[tilespmem:s17+$0xCF10] =	vst v4;
	v4 =	vld [tilespmem:s17+$0xA30];
	v34 =	vsub.f32 v44, v8;
	v27 =	vmul.f32 v39, v61;
	v21 =	vmul.f32 $8.000000000e+00, v21  }
0x14b: {  	v55 =	vld [tilespmem:s17+$0xB30];
	[tilespmem:s17+$0xD010] =	vst v35;
	v0 =	vadd.f32 v0, v17;
	v18 =	vmul.f32 $8.000000000e+00, v18;
	v12 =	vmul.f32 v12, v60  }
0x14c: {  	v35 =	vld [tilespmem:s17+$0xAB0];
	[tilespmem:s17+$0xD020] =	vst v6;
	v6 =	vmul.f32 v63, v61;
	v22 =	vadd.f32 v27, v22;
	v61 =	vsub.f32 v32, v3  }
0x14d: {  	[tilespmem:s17+$0xD1A0] =	vst v11;
	v57 =	vld [tilespmem:s17+$0xB70];
	v0 =	vmul.f32 $8.000000000e+00, v0;
	v63 =	vsub.f32 v31, v2;
	v7 =	vadd.f32 v12, v7  }
0x14e: {  	v17 =	vld [tilespmem:s17+$0xAF0];
	[tilespmem:s17+$0xD130] =	vst v18;
	v31 =	vbroadcast v50, $0xD;
	v18 =	vmul.f32 v34, v42;
	v39 =	vsub.f32 v52, v49  }
0x14f: {  	[tilespmem:s17+$0xD090] =	vst v0;
	v22 =	vmul.f32 $8.000000000e+00, v22;
	v0 =	vadd.f32 v45, v24;
	v24 =	vmul.f32 v47, v43  }
0x150: {  	[tilespmem:s17+$0xD1B0] =	vst v9;
	v6 =	vadd.f32 v6, v23;
	v16 =	vmul.f32 v61, v60;
	v13 =	vmul.f32 v63, v60  }
0x151: {  	v46 =	vld [tilespmem:s17+$0xB50];
	[tilespmem:s17+$0xD180] =	vst v14;
	v23 =	vsub.f32 v37, v4;
	v14 =	vmul.f32 v30, v31;
	v7 =	vmul.f32 $8.000000000e+00, v7  }
0x152: {  	v59 =	vld [tilespmem:s17+$0xB80];
	[tilespmem:s17+$0xD080] =	vst v1;
	v11 =	vmul.f32 v33, v31;
	v43 =	vsub.f32 v57, v55;
	v0 =	vmul.f32 $8.000000000e+00, v0  }
0x153: {  	v62 =	vld [tilespmem:s17+$0xBC0];
	[tilespmem:s17+$0xD110] =	vst v21;
	v17 =	vsub.f32 v17, v35;
	v9 =	vmul.f32 v39, v42;
	v6 =	vmul.f32 $8.000000000e+00, v6  }
0x154: {  	v1 =	vld [tilespmem:s17+$0xB10];
	v20 =	vadd.f32 v24, v20;
	v3 =	vadd.f32 v16, v3;
	[tilespmem:s17+$0xD100] =	vst v0;
	v0 =	vmul.f32 v53, v51  }
0x155: {  	[tilespmem:s17+$0xD0B0] =	vst v22;
	v10 =	vmul.f32 v23, v60;
	v2 =	vadd.f32 v13, v2;
	v14 =	vadd.f32 v14, v38  }
0x156: {  	v40 =	vld [tilespmem:s17+$0xBE0];
	[tilespmem:s17+$0xD200] =	vst v7;
	v7 =	vmul.f32 v43, v42;
	v58 =	vmul.f32 $8.000000000e+00, v20;
	v0 =	vadd.f32 v0, v15  }
0x157: {  	v32 =	vld [tilespmem:s17+$0xBD0];
	v11 =	vadd.f32 v11, v36;
	v16 =	vmul.f32 v17, v31;
	[tilespmem:s17+$0xD0A0] =	vst v6;
	v3 =	vmul.f32 $8.000000000e+00, v3  }
0x158: {  	v24 =	vld [tilespmem:s17+$0xB90];
	v47 =	vadd.f32 v9, v49;
	v49 =	vsub.f32 v62, v59;
	[tilespmem:s17+$0xD120] =	vst v58;
	v0 =	vmul.f32 $8.000000000e+00, v0  }
0x159: {  	v37 =	vld [tilespmem:s17+$0xBA0];
	v4 =	vadd.f32 v10, v4;
	v6 =	vsub.f32 v46, v1;
	v2 =	vmul.f32 $8.000000000e+00, v2;
	[tilespmem:s17+$0xD210] =	vst v3  }
0x15a: {  	v41 =	vld [tilespmem:s17+$0xBB0];
	v46 =	vadd.f32 v18, v8;
	v48 =	vmul.f32 $8.000000000e+00, v14;
	[tilespmem:s17+$0xD190] =	vst v0;
	v0 =	vmul.f32 v29, v31  }
0x15b: {  	v44 =	vld [tilespmem:s17+$0xBF0];
	v51 =	vbroadcast v50, $0xF;
	v52 =	vmul.f32 $8.000000000e+00, v11;
	v53 =	vadd.f32 v7, v55;
	[tilespmem:s17+$0xD220] =	vst v2  }
0x15c: {  	v45 =	vadd.f32 v16, v35;
	v56 =	vmul.f32 $8.000000000e+00, v47;
	[tilespmem:s17+$0xD290] =	vst v48;
	v0 =	vadd.f32 v0, v5  }
0x15d: {  	v4 =	vmul.f32 $8.000000000e+00, v4;
	v6 =	vmul.f32 v6, v42;
	[tilespmem:s17+$0xD2A0] =	vst v52;
	v54 =	vsub.f32 v32, v24  }
0x15e: {  	v2 =	vmul.f32 $8.000000000e+00, v46;
	[tilespmem:s17+$0xD320] =	vst v56;
	v5 =	vsub.f32 v40, v37;
	v0 =	vmul.f32 $8.000000000e+00, v0  }
0x15f: {  	v60 =	vmul.f32 $8.000000000e+00, v53;
	[tilespmem:s17+$0xD230] =	vst v4;
	v1 =	vadd.f32 v6, v1;
	v7 =	vmul.f32 v54, v51  }
0x160: {  	v55 =	vsub.f32 v44, v41;
	v57 =	vmul.f32 v5, v51;
	[tilespmem:s17+$0xD280] =	vst v0;
	v0 =	vmul.f32 v49, v51  }
0x161: {  	v3 =	vmul.f32 $8.000000000e+00, v45;
	[tilespmem:s17+$0xD300] =	vst v2;
	v1 =	vmul.f32 $8.000000000e+00, v1;
	v58 =	vadd.f32 v7, v24  }
0x162: {  	[tilespmem:s17+$0xD330] =	vst v60;
	v61 =	vadd.f32 v57, v37;
	v0 =	vadd.f32 v0, v59;
	v59 =	vmul.f32 v55, v51  }
0x163: {  	[tilespmem:s17+$0xD2B0] =	vst v3;
	v62 =	vmul.f32 $8.000000000e+00, v58  }
0x164: {  	[tilespmem:s17+$0xD310] =	vst v1;
	v63 =	vmul.f32 $8.000000000e+00, v61;
	v1 =	vadd.f32 v59, v41  }
0x165: {  	[tilespmem:s17+$0xD390] =	vst v62;
	v0 =	vmul.f32 $8.000000000e+00, v0  }
0x166: {  	s15 =	sadd.s32 $0x1, s15;
	[tilespmem:s17+$0xD3A0] =	vst v63;
	v1 =	vmul.f32 $8.000000000e+00, v1  }
0x167: {  	s16 =	sshll.u32 s16, $0x4;
	p0 =	sne.s32 s15, $0x10;
	[tilespmem:s17+$0xD380] =	vst v0  }
.Ltmp1:
0x168: {  	s16 =	sadd.s32 s5, s16;
	[tilespmem:s17+$0xD3B0] =	vst v1;
	(pc) =	sbr.rel @p0 .LBB2_2-.Ltmp1, $4  }
0x169: {  	[hbm4b:s16+s2] =	stream.linear.scatter [tilespmem:s13], [sflag:$0x2], $0xC800, $0x38;
	[tilespmem:$0x19400] =	vst v63  }
0x16a: {  	_ =	swait.ge [sflag:s8], $0xC800  }
0x16b: {  	[sflag:s8] =	ssyncset.done $0x0  }
0x16c: {  	[sflag:s8] =	ssyncadd.s32 $0xFFFF3800  }
0x16d: {  	s14 =	sadd.s32 $0x1, s14  }
0x16e: {  	p0 =	sne.s32 s14, s7  }
.Ltmp2:
0x16f: {  	_ = 	snop;
	(pc) =	sbr.rel @p0 .LBB2_1-.Ltmp2, $1  }
0x170: {  	_ =	sdelay $0x3  }
0x171: {  	_ =	sfence.sel $0x180000  }
0x172: {  	[bflag:$0x0] =	sbarrier.arrive $0xFFFF  }
0x173: {  	p0 =	sne.s32 s3, $0x0;
	_ =	strace $0x90000047  }
0x174: {  	s0 =	sadd.s32 @!p0 $0x100000, s0;
	[bflag:$0x2] =	sbarrier.arrive $0xFFFF  }
0x175: {  	[sflag:s0] =	ssyncadd.tile.s32 @!p0 $0x1;
	_ =	shalt  }
.Lfunc_end2:
_tile_overlayer_lowered:
.L_overlay_start_2:
0x176: {  	(tag) =	ssettag $0x2  }
0x177: {  	s0 =	rddreg [dreg:$0x0];
	s2 =	stileid.u32  }
0x178: {  	s1 =	rddreg [dreg:$0x1];
	p0 =	sne.s32 s2, $0x0  }
0x179: {  	s3 =	rddreg [dreg:$0x2];
	[bflag:$0x3] =	sbarrier.arrive $0xFFFF;
	s2 =	simm.s32 @!p0 $0x1C02  }
0x17a: {  	[timem:s3], [sflag:s2] =	dma.local @!p0 [hbm:s0], s1  }
0x17b: {  	s0 =	simm.s32 @!p0 $0x2  }
0x17c: {  	_ =	swait.ge @!p0 [sflag:s0], s1  }
0x17d: {  	s1 =	ssub.s32 @!p0 $0x0, s1;
	[sflag:s0] =	ssyncset.done @!p0 $0x0  }
0x17e: {  	[sflag:s0] =	ssyncadd.s32 @!p0 s1  }
0x17f: {  	[bflag:$0x3] =	sbarrier.arrive $0xFFFF  }
0x180: {  	_ =	shalt  }

// kernel: sparse-core-data-format-call.cloned.1.call-start
scs
called_computation_lowered:
.L_overlay_start_0:
0x0: {  	s2 =	sld [smem:$0x3FD9]  }
0x1: {  	s3 =	sld [smem:$0x3FFE];
	_ =	sdelay $0x1  }
0x2: {  	s1 =	srdreg.scid  }
0x3: {  	s0 =	sand.u32 $0x1, s1  }
0x4: {  	s18 =	sshll.u32 s0, $0xA;
	s2 =	sadd.s32 s3, s2  }
0x5: {  	s2 =	sadd.s32 s2, s18  }
0x6: {  	[smem:$0x3FC6] =	sst s2  }
0x7: {  	_ = 	snop  }
0x8: {  	s2 =	sld [smem:$0x3FD0];
	(tm) =	ssettm $0x1  }
0x9: {  	s19 =	sld [smem:$0x3FFB];
	_ =	sdelay $0x3  }
0xa: {  	_ =	strace s19  }
0xb: {  	s3 =	sld [smem:$0x3FFC];
	_ =	sdelay $0x3  }
0xc: {  	_ =	strace s3  }
0xd: {  	s3 =	sld [smem:$0x3FFD];
	_ =	sdelay $0x3  }
0xe: {  	_ =	strace s3  }
0xf: {  	_ =	strace $0x8FFFFFFF  }
0x10: {  	s20 =	sld [smem:$0x3FDB];
	_ =	sdelay $0x1  }
0x11: {  	s4 =	simm.s32 $_scs_section_size  }
0x12: {  	s5 =	simm.s32 $_size__tile_overlayer_lowered;
	s6 =	simm.s32 $_tile_overlayer_lowered  }
0x13: {  	s23 =	simm.s32 $0x1BFF;
	s22 =	sshll.u32 s6, $0x1;
	s3 =	sadd.s32 s4, s20  }
0x14: {  	s7 =	simm.s32 $0x0;
	s21 =	sshll.u32 s5, $0x1;
	s5 =	sadd.s32 s22, s3  }
0x15: {  	[timem:s7], [sflag:s23] =	dma.local [hbm:s5], s21  }
0x16: {  	_ =	swait.ge [sflag:s23], s21  }
0x17: {  	s4 =	ssub.s32 $0x0, s21;
	[sflag:s23] =	ssyncset.done $0x0  }
0x18: {  	[sflag:s23] =	ssyncadd.s32 s4;
	_ =	sdelay $0x1  }
0x19: {  	s24 =	simm.s32 $0x1B8B  }
0x1a: {  	_ =	swait.ge [sflag:s24], $0x1  }
0x1b: {  	[sflag:s24] =	ssyncset.done $0x0  }
0x1c: {  	s26 =	simm.s32 $0x1B8E;
	s25 =	sld [smem:$0x3FFE];
	[sflag:s24] =	ssyncadd.s32 $0xFFFFFFFF  }
0x1d: {  	s27 =	simm.s32 $execute0_lowered;
	[smem:$0x3FD2] =	sst s26  }
0x1e: {  	s5 =	sshll.u32 s27, $0x1;
	_ =	strace $0x80000049;
	[dreg:$0x1] =	wrdreg $0xFFFFFFFF  }
0x1f: {  	s28 =	simm.s32 $_size_execute0_lowered;
	s3 =	sadd.s32 s3, s5;
	[dreg:$0x0] =	wrdreg $0x0  }
0x20: {  	s5 =	sshll.u32 s28, $0x1;
	[dreg:$0x2] =	wrdreg s3  }
0x21: {  	[dreg:$0x3] =	wrdreg s5  }
0x22: {  	[dreg:$0x4] =	wrdreg $0xC0  }
0x23: {  	_ =	task [dreg:s7], $0x5FFFF  }
0x24: {  	[dreg:$0x1] =	wrdreg $0xFFFFFFFF  }
0x25: {  	[dreg:$0x0] =	wrdreg $0x60  }
0x26: {  	[dreg:$0x2] =	wrdreg s25  }
0x27: {  	[dreg:$0x3] =	wrdreg s2  }
0x28: {  	[dreg:$0x4] =	wrdreg $0x9  }
0x29: {  	_ =	task.clear_ibuf [dreg:s7], $0x5FFFF;
	_ =	strace $0x90000049  }
0x2a: {  	s29 =	simm.s32 $0x9;
	_ =	strace $0x8000004B  }
0x2b: {  	_ =	swait.ge [sflag:s29], $0x1  }
0x2c: {  	[sflag:s29] =	ssyncadd.s32 $0xFFFFFFFF  }
0x2d: {  	_ =	strace $0x9000004B  }
0x2e: {  	_ =	sfence  }
0x2f: {  	s30 =	sld [smem:$0x0];
	_ =	sdelay $0x2  }
0x30: {  	s31 =	sshll.u32 s1, $0xD;
	s1 =	sshrl.u32 s1, $0x2  }
0x31: {  	s3 =	sand.u32 $0x4000, s31;
	s1 =	sadd.s32 s1, s30  }
0x32: {  	s0 =	sor.u32 s3, s0;
	s1 =	sshll.u32 s1, $0x11  }
0x33: {  	s0 =	sor.u32 s1, s0  }
0x34: {  	s0 =	sadd.s32 $0x8F2B, s0  }
0x35: {  	[sflag:s0] =	ssyncadd.remote.s32 $0x1  }
0x36: {  	_ =	sfence.sel $0xFFFF  }
0x37: {  	[dreg:$0x0] =	wrdreg $0xFFFFFFFF;
	(pc) =	sbr.abs _section_cstart, $3  }
0x38: {  	[dreg:$0x1] =	wrdreg $0xFFFFFFFF  }
0x39: {  	_ =	task.clear_ibuf [dreg:s7], $0x2FFFF;
	_ =	strace $0x9FFFFFFF  }
0x3a: {  	(tm) =	ssettm $0x7FFFFFFF  }
0x3b: {  	_ =	shalt  }
tec
execute0_lowered:
.L_overlay_start_1:
0x0: {  	(tag) =	ssettag $0x1  }
0x1: {  	s0 =	stileid.u32;
	s6 =	rddreg [dreg:$0x0]  }
0x2: {  	s2 =	rddreg [dreg:$0x1];
	s5 =	srdreg.scid  }
0x3: {  	s31 =	simm.s32 $0x2;
	s13 =	simm.s32 $0x0;
	s1 =	sshll.u32 s0, $0x7  }
0x4: {  	s14 =	simm.s32 $0x0;
	s12 =	simm.s32 $0x0;
	s3 =	sand.u32 $0x380, s1  }
0x5: {  	s5 =	sshll.u32 s5, $0x4;
	s6 =	sadd.s32 $0xA00, s6;
	s4 =	ssub.s32 $0x400, s3  }
0x6: {  	s1 =	rddreg [dreg:$0x2];
	_ =	strace $0x8000004A;
	s7 =	sand.u32 $0x380, s4  }
0x7: {  	s5 =	sand.u32 $0x10, s5;
	p0 =	sne.s32 s7, $0x0;
	s7 =	simm.s32 $0x1  }
.Ltmp0:
0x8: {  	s8 =	sshrl.u32 s4, $0xA;
	s7 =	simm.s32 @!p0 $0x0;
	(pc) =	sbr.rel .LBB1_1-.Ltmp0, $4  }
0x9: {  	s9 =	sor.u32 s0, s5;
	s4 =	simm.s32 $0x1;
	s30 =	sadd.s32 s7, s8  }
0xa: {  	s11 =	smov.u32 s3;
	[sflag:s4] =	ssyncpa.u1 $0x0;
	s5 =	smul.u32 $0x32, s30  }
0xb: {  	[sflag:s31] =	ssyncpa.u1 $0x0;
	p0 =	por $0x0, $0x0;
	s7 =	sshrl.u32 s9, $0x3  }
0xc: {  	s9 =	simm.s32 $0x2000;
	s10 =	smov.u32 s7;
	s8 =	sor.u32 $0x1, s5  }
.LBB1_4:
0xd: {  	s17 =	sand.u32 $0x1F80, s14;
	s13 =	sshll.u32 s13, $0xD  }
0xe: {  	[tilespmem:s16+$0x810 ss:$0x81] =	vst.msk $0xffff, v2;
	s18 =	sshrl.u32 s14, $0x3;
	s31 =	sand.u32 $0x7, s14;
	s17 =	sadd.s32 s2, s17  }
0xf: {  	[tilespmem:s16+$0x1020 ss:$0x81] =	vst.msk $0xffff, v0;
	s18 =	sand.u32 $0xF, s18;
	s14 =	sshll.u32 s31, $0x12;
	s13 =	sadd.s32 s13, s17  }
0x10: {  	[tilespmem:s16+$0x0 ss:$0x81] =	vst.msk $0xffff, v1;
	s14 =	sor.u32 $0x400, s14;
	s13 =	sadd.s32 s18, s13  }
0x11: {  	[hbm4b:s13+s14] =	stream.strided.scatter [tilespmem:s15], [sflag:$0x2], $0x2000, s9, s14, $0x20;
	[tilespmem:$0x8080] =	vst v63  }
.LBB1_5:
0x12: {  	s15 =	sadd.s32 $0x4, s10  }
0x13: {  	s13 =	sadd.s32 $0x400, s11;
	s17 =	smov.u32 s11;
	p2 =	sgt.s32 s15, $0xC7  }
0x14: {  	s17 =	smov.u32 @p2 s13  }
0x15: {  	s15 =	smov.u32 @p2 s7;
	p2 =	sgt.s32 s17, $0x3FF  }
0x16: {  	s17 =	smov.u32 @p2 s3;
	p2 =	sne.s32 s12, s8  }
.Ltmp1:
0x17: {  	p1 =	slt.u32 s12, $0x2;
	(pc) =	sbr.rel @!p2 .LBB1_6-.Ltmp1, $4  }
0x18: {  	s16 =	simm.s32 @!p1 $0x2  }
0x19: {  	s14 =	smov.u32 s11;
	p0 =	por !p0, !p0;
	_ =	swait.ge @!p1 [sflag:s16], $0x2000  }
0x1a: {  	s13 =	smov.u32 s10;
	[sflag:s16] =	ssyncset.done @!p1 $0x0;
	s10 =	smov.u32 s15  }
0x1b: {  	s12 =	sadd.s32 $0x1, s12;
	[sflag:s16] =	ssyncadd.s32 @!p1 $0xFFFFE000;
	s11 =	smov.u32 s17  }
.LBB1_1:
0x1c: {  	p1 =	sge.u32 s12, s5  }
0x1d: {  	s15 =	sand.u32 @!p1 $0x1FFFFFF, s10  }
0x1e: {  	s16 =	smulhi.u32 @!p1 $0x147AE15, s15;
	_ =	sdelay $0x1  }
0x1f: {  	s16 =	smul.u32 @!p1 $0xC8, s16  }
0x20: {  	s17 =	sxor.u32 @!p1 $0xFFFFFFFF, s12;
	s18 =	smul.u32 @!p1 $0xC80, s11  }
0x21: {  	s31 =	sadd.s32 $0xFFFFFFFF, s12;
	s17 =	sshll.u32 @!p1 s17, $0xD;
	s15 =	ssub.s32 @!p1 s15, s16  }
0x22: {  	s16 =	sand.u32 @!p1 $0x2000, s17;
	s17 =	sadd.s32 @!p1 s6, s18;
	s15 =	sshll.u32 @!p1 s15, $0x4  }
0x23: {  	s18 =	simm.s32 @!p1 $0x6400;
	s15 =	sadd.s32 @!p1 s15, s17;
	s17 =	simm.s32 @!p1 $0x40  }
0x24: {  	[tilespmem:s16], [sflag:$0x1] =	stream.strided.gather @!p1 [hbm4b:s15+s17], $0x2000, s18, s17, $0x38;
	[tilespmem:$0x8080] =	vst v63  }
0x25: {  	p1 =	sge.u32 s31, s5  }
.Ltmp2:
0x26: {  	_ = 	snop;
	(pc) =	sbr.rel @p1 .LBB1_5-.Ltmp2, $1  }
0x27: {  	_ =	sdelay $0x3  }
0x28: {  	s15 =	simm.s32 $0x1  }
0x29: {  	_ =	swait.ge [sflag:s4], $0x2000;
	s15 =	simm.s32 @!p0 $0x0  }
0x2a: {  	[sflag:s4] =	ssyncset.done $0x0;
	s16 =	sshll.u32 s15, $0xD  }
0x2b: {  	[sflag:s4] =	ssyncadd.s32 $0xFFFFE000;
	s19 =	sor.u32 $0x20, s16  }
0x2c: {  	s15 =	smul.u32 $0x8100, s15;
	v3 =	vld [tilespmem:s19+$0x10]  }
0x2d: {  	s30 =	sand.u32 $0x1, s12;
	v2 =	vld [tilespmem:s19+$0xFFFFFFF0]  }
0x2e: {  	s16 =	smul.u32 $0x8100, s30;
	s15 =	sshrl.u32 s15, $0x2;
	v0 =	vld [tilespmem:s19+$0x0]  }
0x2f: {  	v1 =	vld [tilespmem:s19+$0xFFFFFFE0];
	s17 =	sor.u32 $0x4000, s15  }
0x30: {  	s31 =	sshrl.u32 s16, $0x2;
	s16 =	sadd.s32 $0x0, s17  }
0x31: {  	s18 =	simm.s32 $0x4;
	s19 =	sadd.s32 $0x40, s19;
	s15 =	sor.u32 $0x4000, s31;
	[tilespmem:s16+$0x1830 ss:$0x81] =	vst.msk $0xffff, v3  }
.LBB1_3:
0x32: {  	v3 =	vld [tilespmem:s19+$0x10];
	p1 =	sne.s32 s18, $0x1FC;
	[tilespmem:s16+$0x810 ss:$0x81] =	vst.msk $0xffff, v2;
	s20 =	smov.u32 s18;
	s18 =	sadd.s32 $0x4, s18  }
.Ltmp3:
0x33: {  	v2 =	vld [tilespmem:s19+$0xFFFFFFF0];
	[tilespmem:s16+$0x1020 ss:$0x81] =	vst.msk $0xffff, v0;
	(pc) =	sbr.rel @p1 .LBB1_3-.Ltmp3, $4  }
0x34: {  	v0 =	vld [tilespmem:s19+$0x0];
	[tilespmem:s16+$0x0 ss:$0x81] =	vst.msk $0xffff, v1  }
0x35: {  	s16 =	sshra.s32 s20, $0x2;
	v1 =	vld [tilespmem:s19+$0xFFFFFFE0]  }
0x36: {  	s16 =	sadd.s32 s16, s17  }
0x37: {  	s19 =	sadd.s32 $0x40, s19;
	[tilespmem:s16+$0x1830 ss:$0x81] =	vst.msk $0xffff, v3  }
.Ltmp4:
0x38: {  	_ = 	snop;
	(pc) =	sbr.rel .LBB1_4-.Ltmp4, $1  }
0x39: {  	_ =	sdelay $0x3  }
.LBB1_6:
0x3a: {  	_ =	sfence.sel $0x180000  }
0x3b: {  	s2 =	simm.s32 $0x1;
	[bflag:$0x0] =	sbarrier.arrive $0xFFFF  }
0x3c: {  	s31 =	simm.s32 $0x2;
	[sflag:s2] =	ssyncpa.u1 $0x1  }
0x3d: {  	[sflag:s31] =	ssyncpa.u1 $0x1  }
0x3e: {  	p0 =	sne.s32 s0, $0x0;
	_ =	strace $0x9000004A  }
0x3f: {  	s0 =	sadd.s32 @!p0 $0x100000, s1;
	[bflag:$0x2] =	sbarrier.arrive $0xFFFF  }
0x40: {  	[sflag:s0] =	ssyncadd.tile.s32 @!p0 $0x1;
	_ =	shalt  }
.Lfunc_end1:
_tile_overlayer_lowered:
.L_overlay_start_2:
0x41: {  	(tag) =	ssettag $0x2  }
0x42: {  	s0 =	rddreg [dreg:$0x0];
	s2 =	stileid.u32  }
0x43: {  	s1 =	rddreg [dreg:$0x1];
	p0 =	sne.s32 s2, $0x0  }
0x44: {  	s3 =	rddreg [dreg:$0x2];
	[bflag:$0x3] =	sbarrier.arrive $0xFFFF;
	s2 =	simm.s32 @!p0 $0x1C01  }
0x45: {  	[timem:s3], [sflag:s2] =	dma.local @!p0 [hbm:s0], s1  }
0x46: {  	s0 =	simm.s32 @!p0 $0x1  }
0x47: {  	_ =	swait.ge @!p0 [sflag:s0], s1  }
0x48: {  	s1 =	ssub.s32 @!p0 $0x0, s1;
	[sflag:s0] =	ssyncset.done @!p0 $0x0  }
0x49: {  	[sflag:s0] =	ssyncadd.s32 @!p0 s1  }
0x4a: {  	[bflag:$0x3] =	sbarrier.arrive $0xFFFF  }
0x4b: {  	_ =	shalt  }

</sc_bundles>
